<compile_context>
chip_gen: v7x
topology: tpu7x:2x2x1
jax: 0.10.2.dev20260603
libtpu: 0.0.44.dev20260713+nightly
codegen_flags: <defaults>
</compile_context>

<pallas_src>
import functools

import numpy as np
import jax
import jax.numpy as jnp
from jax import lax
from jax.experimental import pallas as pl
from jax.experimental.pallas import tpu as pltpu
from jax.experimental.pallas import tpu_sc as plsc

_FIELD_DIMS = [100000] * 26
_OFFSETS = np.concatenate(([0], np.cumsum(_FIELD_DIMS)[:-1])).astype(np.int32)
_F = len(_FIELD_DIMS)
_D = 16
_B = 4096
_N = _B * _F
_ROWS, _COLS = np.triu_indices(_F, k=1)

_NC, _NS = 2, 16
_NW = _NC * _NS
_BPW = _N // _NW

_SC_PARAMS = pltpu.CompilerParams(
    use_tc_tiling_on_sc=False, needs_layout_passes=False)
_RING = 8


def _sc_gather_emb(table3, lr_t, idx_flat):
    mesh = plsc.VectorSubcoreMesh(core_axis_name="c", subcore_axis_name="s")

    @functools.partial(
        pl.kernel,
        mesh=mesh,
        compiler_params=pltpu.CompilerParams(
            use_tc_tiling_on_sc=True, needs_layout_passes=False),
        out_type=(
            jax.ShapeDtypeStruct((_N * _D,), jnp.float32),
            jax.ShapeDtypeStruct((_N,), jnp.float32),
        ),
        scratch_types=(
            [pltpu.VMEM((_BPW + 16,), jnp.int32)]
            + [pltpu.VMEM((2, 8, 128), jnp.float32) for _ in range(_RING)]
            + [pltpu.VMEM((1, 128), jnp.float32) for _ in range(_RING)]
            + [pltpu.VMEM((_BPW * _D,), jnp.float32),
               pltpu.VMEM((_BPW + 16,), jnp.float32)]
            + [pltpu.SemaphoreType.DMA for _ in range(_RING)]
        ),
    )
    def gather_kernel(tab_hbm, lrt_hbm, idx_hbm, out_emb, out_lr,
                      idx_v, *rest):
        bufs = rest[:_RING]
        lrbufs = rest[_RING:2 * _RING]
        rows_v = rest[2 * _RING]
        lrsel_v = rest[2 * _RING + 1]
        sems = rest[2 * _RING + 2:]
        wid = lax.axis_index("s") * _NC + lax.axis_index("c")
        base = wid * _BPW
        pltpu.sync_copy(idx_hbm.at[pl.ds(base, _BPW)],
                        idx_v.at[pl.ds(0, _BPW)])

        def sidx(j):
            return idx_v[pl.ds(j, 16)][0]

        def issue(j, slot):
            ct = lax.shift_right_logical(sidx(j), 7) * 128
            ct = pl.multiple_of(ct, 128)
            pltpu.async_copy(tab_hbm.at[:, :, pl.ds(ct, 128)],
                             bufs[slot], sems[slot])
            pltpu.async_copy(lrt_hbm.at[:, pl.ds(ct, 128)],
                             lrbufs[slot], sems[slot])

        def drain(slot):
            pltpu.make_async_copy(
                tab_hbm.at[:, :, pl.ds(0, 128)],
                bufs[slot], sems[slot]).wait()
            pltpu.make_async_copy(
                lrt_hbm.at[:, pl.ds(0, 128)],
                lrbufs[slot], sems[slot]).wait()

        def pick(j, slot):
            lane = lax.bitwise_and(sidx(j), 127)
            lane16 = jnp.full((16,), lane, jnp.int32)
            i16 = lax.iota(jnp.int32, 16)
            vals = plsc.load_gather(
                bufs[slot], [lax.shift_right_logical(i16, 3),
                             lax.bitwise_and(i16, 7), lane16])
            rows_v[pl.ds(j * _D, _D)] = vals
            lrv = plsc.load_gather(
                lrbufs[slot], [jnp.zeros((16,), jnp.int32), lane16])
            lrsel_v[pl.ds(j, 16)] = lrv

        for r in range(_RING):
            issue(r, r)

        @pl.loop(0, _BPW, step=_RING)
        def _(j):
            for r in range(_RING):
                drain(r)
                pick(j + r, r)

                @pl.when(j + r + _RING < _BPW)
                def _():
                    issue(j + r + _RING, r)

        pltpu.sync_copy(rows_v, out_emb.at[pl.ds(base * _D, _BPW * _D)])
        pltpu.sync_copy(lrsel_v.at[pl.ds(0, _BPW)],
                        out_lr.at[pl.ds(base, _BPW)])

    return gather_kernel(table3, lr_t, idx_flat)


def _sc_gather_lr(lr_view, idx_flat):
    mesh = plsc.VectorSubcoreMesh(core_axis_name="c", subcore_axis_name="s")

    @functools.partial(
        pl.kernel,
        mesh=mesh,
        compiler_params=_SC_PARAMS,
        out_type=jax.ShapeDtypeStruct((_N,), jnp.float32),
        scratch_types=[
            pltpu.VMEM((_BPW,), jnp.int32),
            pltpu.VMEM((_BPW,), jnp.int32),
            pltpu.VMEM((_BPW, _D), jnp.float32),
            pltpu.VMEM((_BPW,), jnp.float32),
            pltpu.SemaphoreType.DMA,
        ],
    )
    def gather_kernel(lrv_hbm, idx_hbm, out_lr,
                      idx_v, idx16_v, lrg_v, lrsel_v, sem):
        wid = lax.axis_index("s") * _NC + lax.axis_index("c")
        base = wid * _BPW
        pltpu.sync_copy(idx_hbm.at[pl.ds(base, _BPW)], idx_v)

        @pl.loop(0, _BPW, step=16)
        def _(k):
            idx16_v[pl.ds(k, 16)] = lax.shift_right_logical(
                idx_v[pl.ds(k, 16)], 4)

        pltpu.async_copy(lrv_hbm.at[idx16_v], lrg_v, sem).wait()

        @pl.loop(0, _BPW, step=16)
        def _(k):
            lanes = lax.bitwise_and(idx_v[pl.ds(k, 16)], 15)
            rows16 = lax.iota(jnp.int32, 16) + k
            lrsel_v[pl.ds(k, 16)] = plsc.load_gather(lrg_v, [rows16, lanes])

        pltpu.sync_copy(lrsel_v, out_lr.at[pl.ds(base, _BPW)])

    return gather_kernel(lr_view, idx_flat)


def _tc_interact(emb_flat, lr_g, w, bias2d):
    bb = 512

    def body(emb_ref, lr_ref, w_ref, b_ref, out_ref):
        e = emb_ref[...]
        acc = jnp.dot(e.astype(jnp.bfloat16), w_ref[...],
                      preferred_element_type=jnp.float32)
        fw = jnp.sum(e * acc, axis=1, keepdims=True)
        lrs = jnp.sum(lr_ref[...], axis=1, keepdims=True)
        out_ref[...] = fw + lrs + b_ref[...]

    return pl.pallas_call(
        body,
        grid=(_B // bb,),
        in_specs=[
            pl.BlockSpec((bb, _F * _D), lambda i: (i, 0)),
            pl.BlockSpec((bb, _F), lambda i: (i, 0)),
            pl.BlockSpec((_F * _D, _F * _D), lambda i: (0, 0)),
            pl.BlockSpec((1, 1), lambda i: (0, 0)),
        ],
        out_specs=pl.BlockSpec((bb, 1), lambda i: (i, 0)),
        out_shape=jax.ShapeDtypeStruct((_B, 1), jnp.float32),
    )(emb_flat, lr_g, w, bias2d)


def kernel(x, table_lr, bias, table_emb, r):
    idx = (x + jnp.asarray(_OFFSETS)[None, :]).reshape(-1)
    table3 = jnp.swapaxes(table_emb, 0, 1).reshape(2, 8, table_emb.shape[0])
    lr_t = jnp.swapaxes(table_lr, 0, 1)
    emb_flat1d, lr_rows = _sc_gather_emb(table3, lr_t, idx)
    emb_flat = emb_flat1d.reshape(_B, _F * _D)
    lr_g = lr_rows.reshape(_B, _F)
    m = jnp.zeros((_F, _F), jnp.float32).at[_ROWS, _COLS].set(r[:, 0])
    w = jnp.kron(m, jnp.eye(_D, dtype=jnp.float32)).astype(jnp.bfloat16)
    return _tc_interact(emb_flat, lr_g, w, bias.reshape(1, 1))

# --- scband reference (transcript-rebuilt; emitter-appended) ---
"""Pipeline reference for scband-fw-fm-9904194585372 (READ-ONLY COPY).

The authoritative reference and input builder live on the scoring server;
editing this copy changes nothing except your own understanding.
"""

import jax, jax.numpy as jnp
import numpy as np

FIELD_DIMS = [100000] * 26
EMBED_DIM = 16
BATCH = 4096
OFFSETS = np.concatenate(([0], np.cumsum(FIELD_DIMS)[:-1])).astype(np.int32)
TOTAL = int(sum(FIELD_DIMS))
NUM_FIELDS = len(FIELD_DIMS)
ROWS, COLS = np.triu_indices(NUM_FIELDS, k=1)
NUM_PAIRS = len(ROWS)


def setup_inputs(seed: int = 0) -> dict:
    key = jax.random.key(seed)
    k1, k2, k3, k4 = jax.random.split(key, 4)
    x = jax.random.randint(k1, (BATCH, NUM_FIELDS), 0, 100000, dtype=jnp.int32)
    table_lr = jax.random.normal(k2, (TOTAL, 1), dtype=jnp.float32) * 0.01
    bias = jnp.zeros((1,), dtype=jnp.float32)
    table_emb = jax.random.normal(k3, (TOTAL, EMBED_DIM), dtype=jnp.float32) * 0.01
    r = jax.random.normal(k4, (NUM_PAIRS, 1), dtype=jnp.float32) * 0.01
    return {"x": x, "table_lr": table_lr, "bias": bias, "table_emb": table_emb, "r": r}


def reference(x, table_lr, bias, table_emb, r):
    # FeaturesLinear: per-field offset, 1-dim embedding lookup, sum over fields + bias
    idx = x + jnp.asarray(OFFSETS)[None, :]
    lr = jnp.sum(jnp.take(table_lr, idx, axis=0), axis=1) + bias  # [B, 1]
    # FeaturesEmbedding: [B, F, D]
    emb = jnp.take(table_emb, idx, axis=0)
    # FwFMInterLayer: field-pair weighted inner products
    p = emb[:, ROWS, :]  # [B, P, D]
    q = emb[:, COLS, :]  # [B, P, D]
    inner = jnp.sum(p * q, axis=-1)  # [B, P]
    fwfm = inner @ r  # [B, 1]
    return lr + fwfm

if __name__ == "__main__":
    import jax
    _d = setup_inputs()
    print(jax.jit(kernel)(*tuple(_d.values())))

</pallas_src>

<mosaic_0001>
#map = affine_map<(d0, d1) -> (0, 0, 0)>
#map1 = affine_map<(d0, d1) -> (0, 0)>
#map2 = affine_map<(d0, d1) -> (0)>
module attributes {stable_mosaic.version = 14 : i64} {
  func.func @gather_kernel(%arg0: i32, %arg1: i32, %arg2: memref<2x8x2600000xf32, #tpu.memory_space<hbm>>, %arg3: memref<1x2600000xf32, #tpu.memory_space<hbm>>, %arg4: memref<106496xi32, #tpu.memory_space<hbm>>, %arg5: memref<1703936xf32, #tpu.memory_space<hbm>>, %arg6: memref<106496xf32, #tpu.memory_space<hbm>>, %arg7: memref<3344xi32, #tpu.memory_space<vmem>>, %arg8: memref<2x8x128xf32, #tpu.memory_space<vmem>>, %arg9: memref<2x8x128xf32, #tpu.memory_space<vmem>>, %arg10: memref<2x8x128xf32, #tpu.memory_space<vmem>>, %arg11: memref<2x8x128xf32, #tpu.memory_space<vmem>>, %arg12: memref<2x8x128xf32, #tpu.memory_space<vmem>>, %arg13: memref<2x8x128xf32, #tpu.memory_space<vmem>>, %arg14: memref<2x8x128xf32, #tpu.memory_space<vmem>>, %arg15: memref<2x8x128xf32, #tpu.memory_space<vmem>>, %arg16: memref<1x128xf32, #tpu.memory_space<vmem>>, %arg17: memref<1x128xf32, #tpu.memory_space<vmem>>, %arg18: memref<1x128xf32, #tpu.memory_space<vmem>>, %arg19: memref<1x128xf32, #tpu.memory_space<vmem>>, %arg20: memref<1x128xf32, #tpu.memory_space<vmem>>, %arg21: memref<1x128xf32, #tpu.memory_space<vmem>>, %arg22: memref<1x128xf32, #tpu.memory_space<vmem>>, %arg23: memref<1x128xf32, #tpu.memory_space<vmem>>, %arg24: memref<53248xf32, #tpu.memory_space<vmem>>, %arg25: memref<3344xf32, #tpu.memory_space<vmem>>, %arg26: memref<!tpu.dma_semaphore, #tpu.memory_space<semaphore_mem>>, %arg27: memref<!tpu.dma_semaphore, #tpu.memory_space<semaphore_mem>>, %arg28: memref<!tpu.dma_semaphore, #tpu.memory_space<semaphore_mem>>, %arg29: memref<!tpu.dma_semaphore, #tpu.memory_space<semaphore_mem>>, %arg30: memref<!tpu.dma_semaphore, #tpu.memory_space<semaphore_mem>>, %arg31: memref<!tpu.dma_semaphore, #tpu.memory_space<semaphore_mem>>, %arg32: memref<!tpu.dma_semaphore, #tpu.memory_space<semaphore_mem>>, %arg33: memref<!tpu.dma_semaphore, #tpu.memory_space<semaphore_mem>>) attributes {dimension_semantics = [#tpu.dimension_semantics<core_parallel>, #tpu.dimension_semantics<subcore_parallel>], iteration_bounds = array<i64: 2, 16>, scalar_prefetch = 0 : i64, scratch_operands = 27 : i64, tpu.core_type = #tpu.core_type<sc_vector_subcore>, window_params = [{transform_indices = #map}, {transform_indices = #map1}, {transform_indices = #map2}, {transform_indices = #map2}, {transform_indices = #map2}]} {
    %mul3A = arith.constant 2 : i32
    %mul3A_0 = arith.muli %arg1, %mul3A : i32
    %add3A = arith.addi %mul3A_0, %arg0 : i32
    %mul3A_1 = arith.constant 3328 : i32
    %mul3A_2 = arith.muli %add3A, %mul3A_1 : i32
    "tpu.region"() ({
      %run_scoped3A = tpu.sem_alloc : memref<!tpu.dma_semaphore, #tpu.memory_space<semaphore_mem>>
      %dma_start3A_155 = arith.constant 0 : i32
      %dma_start3A_156 = tpu.memref_slice %arg7[%dma_start3A_155] : memref<3344xi32, #tpu.memory_space<vmem>> -> memref<3328xi32, #tpu.memory_space<vmem>>
      %dma_start3A_157 = tpu.memref_slice %arg4[%mul3A_2] : memref<106496xi32, #tpu.memory_space<hbm>> -> memref<3328xi32, #tpu.memory_space<hbm>>
      %dma_start3A_158 = arith.constant 0 : i32
      %dma_start3A_159 = tpu.memref_slice %arg7[%dma_start3A_158] : memref<3344xi32, #tpu.memory_space<vmem>> -> memref<3328xi32, #tpu.memory_space<vmem>>
      %dma_start3A_160 = tpu.memref_slice %arg4[%mul3A_2] : memref<106496xi32, #tpu.memory_space<hbm>> -> memref<3328xi32, #tpu.memory_space<hbm>>
      tpu.enqueue_dma source(%dma_start3A_160 : memref<3328xi32, #tpu.memory_space<hbm>>) target(%dma_start3A_159 : memref<3328xi32, #tpu.memory_space<vmem>>) target_semaphore(%run_scoped3A : memref<!tpu.dma_semaphore, #tpu.memory_space<semaphore_mem>>)
      %dma_wait3A = arith.constant 0 : i32
      %dma_wait3A_161 = tpu.memref_slice %arg7[%dma_wait3A] : memref<3344xi32, #tpu.memory_space<vmem>> -> memref<3328xi32, #tpu.memory_space<vmem>>
      %dma_wait3A_162 = tpu.memref_slice %arg4[%mul3A_2] : memref<106496xi32, #tpu.memory_space<hbm>> -> memref<3328xi32, #tpu.memory_space<hbm>>
      %dma_wait3A_163 = arith.constant 0 : i32
      %dma_wait3A_164 = tpu.memref_slice %arg7[%dma_wait3A_163] : memref<3344xi32, #tpu.memory_space<vmem>> -> memref<3328xi32, #tpu.memory_space<vmem>>
      %dma_wait3A_165 = tpu.memref_slice %arg4[%mul3A_2] : memref<106496xi32, #tpu.memory_space<hbm>> -> memref<3328xi32, #tpu.memory_space<hbm>>
      tpu.wait_dma2 semaphore(%run_scoped3A : memref<!tpu.dma_semaphore, #tpu.memory_space<semaphore_mem>>) src(%dma_wait3A_165 : memref<3328xi32, #tpu.memory_space<hbm>>) dst(%dma_wait3A_164 : memref<3328xi32, #tpu.memory_space<vmem>>)
      tpu.yield
    }) : () -> ()
    %get3A = arith.constant 0 : index
    %get3A_3 = tpu.vector_load %arg7[%get3A] {strides = array<i32>} : memref<3344xi32, #tpu.memory_space<vmem>>, vector<16xi32>,
    %slice3A = vector.extract_strided_slice %get3A_3 {offsets = [0], sizes = [1], strides = [1]} : vector<16xi32> to vector<1xi32>
    %squeeze3A = vector.extract %slice3A[0] : i32 from vector<1xi32>
    %shift_right_logical3A = arith.constant 7 : i32
    %shift_right_logical3A_4 = arith.shrui %squeeze3A, %shift_right_logical3A : i32
    %mul3A_5 = arith.constant 128 : i32
    %mul3A_6 = arith.muli %shift_right_logical3A_4, %mul3A_5 : i32
    %multiple_of3A = tpu.assume_multiple %mul3A_6, 128 : i32
    %dma_start3A = arith.constant 0 : i32
    %dma_start3A_7 = arith.constant 0 : i32
    %dma_start3A_8 = tpu.memref_slice %arg2[%dma_start3A, %dma_start3A_7, %multiple_of3A] : memref<2x8x2600000xf32, #tpu.memory_space<hbm>> -> memref<2x8x128xf32, #tpu.memory_space<hbm>>
    %dma_start3A_9 = arith.constant 0 : i32
    %dma_start3A_10 = arith.constant 0 : i32
    %dma_start3A_11 = tpu.memref_slice %arg2[%dma_start3A_9, %dma_start3A_10, %multiple_of3A] : memref<2x8x2600000xf32, #tpu.memory_space<hbm>> -> memref<2x8x128xf32, #tpu.memory_space<hbm>>
    tpu.enqueue_dma source(%dma_start3A_11 : memref<2x8x128xf32, #tpu.memory_space<hbm>>) target(%arg8 : memref<2x8x128xf32, #tpu.memory_space<vmem>>) target_semaphore(%arg26 : memref<!tpu.dma_semaphore, #tpu.memory_space<semaphore_mem>>)
    %dma_start3A_12 = arith.constant 0 : i32
    %dma_start3A_13 = tpu.memref_slice %arg3[%dma_start3A_12, %multiple_of3A] : memref<1x2600000xf32, #tpu.memory_space<hbm>> -> memref<1x128xf32, #tpu.memory_space<hbm>>
    %dma_start3A_14 = arith.constant 0 : i32
    %dma_start3A_15 = tpu.memref_slice %arg3[%dma_start3A_14, %multiple_of3A] : memref<1x2600000xf32, #tpu.memory_space<hbm>> -> memref<1x128xf32, #tpu.memory_space<hbm>>
    tpu.enqueue_dma source(%dma_start3A_15 : memref<1x128xf32, #tpu.memory_space<hbm>>) target(%arg16 : memref<1x128xf32, #tpu.memory_space<vmem>>) target_semaphore(%arg26 : memref<!tpu.dma_semaphore, #tpu.memory_space<semaphore_mem>>)
    %get3A_16 = arith.constant 1 : index
    %get3A_17 = tpu.vector_load %arg7[%get3A_16] {strides = array<i32>} : memref<3344xi32, #tpu.memory_space<vmem>>, vector<16xi32>,
    %slice3A_18 = vector.extract_strided_slice %get3A_17 {offsets = [0], sizes = [1], strides = [1]} : vector<16xi32> to vector<1xi32>
    %squeeze3A_19 = vector.extract %slice3A_18[0] : i32 from vector<1xi32>
    %shift_right_logical3A_20 = arith.constant 7 : i32
    %shift_right_logical3A_21 = arith.shrui %squeeze3A_19, %shift_right_logical3A_20 : i32
    %mul3A_22 = arith.constant 128 : i32
    %mul3A_23 = arith.muli %shift_right_logical3A_21, %mul3A_22 : i32
    %multiple_of3A_24 = tpu.assume_multiple %mul3A_23, 128 : i32
    %dma_start3A_25 = arith.constant 0 : i32
    %dma_start3A_26 = arith.constant 0 : i32
    %dma_start3A_27 = tpu.memref_slice %arg2[%dma_start3A_25, %dma_start3A_26, %multiple_of3A_24] : memref<2x8x2600000xf32, #tpu.memory_space<hbm>> -> memref<2x8x128xf32, #tpu.memory_space<hbm>>
    %dma_start3A_28 = arith.constant 0 : i32
    %dma_start3A_29 = arith.constant 0 : i32
    %dma_start3A_30 = tpu.memref_slice %arg2[%dma_start3A_28, %dma_start3A_29, %multiple_of3A_24] : memref<2x8x2600000xf32, #tpu.memory_space<hbm>> -> memref<2x8x128xf32, #tpu.memory_space<hbm>>
    tpu.enqueue_dma source(%dma_start3A_30 : memref<2x8x128xf32, #tpu.memory_space<hbm>>) target(%arg9 : memref<2x8x128xf32, #tpu.memory_space<vmem>>) target_semaphore(%arg27 : memref<!tpu.dma_semaphore, #tpu.memory_space<semaphore_mem>>)
    %dma_start3A_31 = arith.constant 0 : i32
    %dma_start3A_32 = tpu.memref_slice %arg3[%dma_start3A_31, %multiple_of3A_24] : memref<1x2600000xf32, #tpu.memory_space<hbm>> -> memref<1x128xf32, #tpu.memory_space<hbm>>
    %dma_start3A_33 = arith.constant 0 : i32
    %dma_start3A_34 = tpu.memref_slice %arg3[%dma_start3A_33, %multiple_of3A_24] : memref<1x2600000xf32, #tpu.memory_space<hbm>> -> memref<1x128xf32, #tpu.memory_space<hbm>>
    tpu.enqueue_dma source(%dma_start3A_34 : memref<1x128xf32, #tpu.memory_space<hbm>>) target(%arg17 : memref<1x128xf32, #tpu.memory_space<vmem>>) target_semaphore(%arg27 : memref<!tpu.dma_semaphore, #tpu.memory_space<semaphore_mem>>)
    %get3A_35 = arith.constant 2 : index
    %get3A_36 = tpu.vector_load %arg7[%get3A_35] {strides = array<i32>} : memref<3344xi32, #tpu.memory_space<vmem>>, vector<16xi32>,
    %slice3A_37 = vector.extract_strided_slice %get3A_36 {offsets = [0], sizes = [1], strides = [1]} : vector<16xi32> to vector<1xi32>
    %squeeze3A_38 = vector.extract %slice3A_37[0] : i32 from vector<1xi32>
    %shift_right_logical3A_39 = arith.constant 7 : i32
    %shift_right_logical3A_40 = arith.shrui %squeeze3A_38, %shift_right_logical3A_39 : i32
    %mul3A_41 = arith.constant 128 : i32
    %mul3A_42 = arith.muli %shift_right_logical3A_40, %mul3A_41 : i32
    %multiple_of3A_43 = tpu.assume_multiple %mul3A_42, 128 : i32
    %dma_start3A_44 = arith.constant 0 : i32
    %dma_start3A_45 = arith.constant 0 : i32
    %dma_start3A_46 = tpu.memref_slice %arg2[%dma_start3A_44, %dma_start3A_45, %multiple_of3A_43] : memref<2x8x2600000xf32, #tpu.memory_space<hbm>> -> memref<2x8x128xf32, #tpu.memory_space<hbm>>
    %dma_start3A_47 = arith.constant 0 : i32
    %dma_start3A_48 = arith.constant 0 : i32
    %dma_start3A_49 = tpu.memref_slice %arg2[%dma_start3A_47, %dma_start3A_48, %multiple_of3A_43] : memref<2x8x2600000xf32, #tpu.memory_space<hbm>> -> memref<2x8x128xf32, #tpu.memory_space<hbm>>
    tpu.enqueue_dma source(%dma_start3A_49 : memref<2x8x128xf32, #tpu.memory_space<hbm>>) target(%arg10 : memref<2x8x128xf32, #tpu.memory_space<vmem>>) target_semaphore(%arg28 : memref<!tpu.dma_semaphore, #tpu.memory_space<semaphore_mem>>)
    %dma_start3A_50 = arith.constant 0 : i32
    %dma_start3A_51 = tpu.memref_slice %arg3[%dma_start3A_50, %multiple_of3A_43] : memref<1x2600000xf32, #tpu.memory_space<hbm>> -> memref<1x128xf32, #tpu.memory_space<hbm>>
    %dma_start3A_52 = arith.constant 0 : i32
    %dma_start3A_53 = tpu.memref_slice %arg3[%dma_start3A_52, %multiple_of3A_43] : memref<1x2600000xf32, #tpu.memory_space<hbm>> -> memref<1x128xf32, #tpu.memory_space<hbm>>
    tpu.enqueue_dma source(%dma_start3A_53 : memref<1x128xf32, #tpu.memory_space<hbm>>) target(%arg18 : memref<1x128xf32, #tpu.memory_space<vmem>>) target_semaphore(%arg28 : memref<!tpu.dma_semaphore, #tpu.memory_space<semaphore_mem>>)
    %get3A_54 = arith.constant 3 : index
    %get3A_55 = tpu.vector_load %arg7[%get3A_54] {strides = array<i32>} : memref<3344xi32, #tpu.memory_space<vmem>>, vector<16xi32>,
    %slice3A_56 = vector.extract_strided_slice %get3A_55 {offsets = [0], sizes = [1], strides = [1]} : vector<16xi32> to vector<1xi32>
    %squeeze3A_57 = vector.extract %slice3A_56[0] : i32 from vector<1xi32>
    %shift_right_logical3A_58 = arith.constant 7 : i32
    %shift_right_logical3A_59 = arith.shrui %squeeze3A_57, %shift_right_logical3A_58 : i32
    %mul3A_60 = arith.constant 128 : i32
    %mul3A_61 = arith.muli %shift_right_logical3A_59, %mul3A_60 : i32
    %multiple_of3A_62 = tpu.assume_multiple %mul3A_61, 128 : i32
    %dma_start3A_63 = arith.constant 0 : i32
    %dma_start3A_64 = arith.constant 0 : i32
    %dma_start3A_65 = tpu.memref_slice %arg2[%dma_start3A_63, %dma_start3A_64, %multiple_of3A_62] : memref<2x8x2600000xf32, #tpu.memory_space<hbm>> -> memref<2x8x128xf32, #tpu.memory_space<hbm>>
    %dma_start3A_66 = arith.constant 0 : i32
    %dma_start3A_67 = arith.constant 0 : i32
    %dma_start3A_68 = tpu.memref_slice %arg2[%dma_start3A_66, %dma_start3A_67, %multiple_of3A_62] : memref<2x8x2600000xf32, #tpu.memory_space<hbm>> -> memref<2x8x128xf32, #tpu.memory_space<hbm>>
    tpu.enqueue_dma source(%dma_start3A_68 : memref<2x8x128xf32, #tpu.memory_space<hbm>>) target(%arg11 : memref<2x8x128xf32, #tpu.memory_space<vmem>>) target_semaphore(%arg29 : memref<!tpu.dma_semaphore, #tpu.memory_space<semaphore_mem>>)
    %dma_start3A_69 = arith.constant 0 : i32
    %dma_start3A_70 = tpu.memref_slice %arg3[%dma_start3A_69, %multiple_of3A_62] : memref<1x2600000xf32, #tpu.memory_space<hbm>> -> memref<1x128xf32, #tpu.memory_space<hbm>>
    %dma_start3A_71 = arith.constant 0 : i32
    %dma_start3A_72 = tpu.memref_slice %arg3[%dma_start3A_71, %multiple_of3A_62] : memref<1x2600000xf32, #tpu.memory_space<hbm>> -> memref<1x128xf32, #tpu.memory_space<hbm>>
    tpu.enqueue_dma source(%dma_start3A_72 : memref<1x128xf32, #tpu.memory_space<hbm>>) target(%arg19 : memref<1x128xf32, #tpu.memory_space<vmem>>) target_semaphore(%arg29 : memref<!tpu.dma_semaphore, #tpu.memory_space<semaphore_mem>>)
    %get3A_73 = arith.constant 4 : index
    %get3A_74 = tpu.vector_load %arg7[%get3A_73] {strides = array<i32>} : memref<3344xi32, #tpu.memory_space<vmem>>, vector<16xi32>,
    %slice3A_75 = vector.extract_strided_slice %get3A_74 {offsets = [0], sizes = [1], strides = [1]} : vector<16xi32> to vector<1xi32>
    %squeeze3A_76 = vector.extract %slice3A_75[0] : i32 from vector<1xi32>
    %shift_right_logical3A_77 = arith.constant 7 : i32
    %shift_right_logical3A_78 = arith.shrui %squeeze3A_76, %shift_right_logical3A_77 : i32
    %mul3A_79 = arith.constant 128 : i32
    %mul3A_80 = arith.muli %shift_right_logical3A_78, %mul3A_79 : i32
    %multiple_of3A_81 = tpu.assume_multiple %mul3A_80, 128 : i32
    %dma_start3A_82 = arith.constant 0 : i32
    %dma_start3A_83 = arith.constant 0 : i32
    %dma_start3A_84 = tpu.memref_slice %arg2[%dma_start3A_82, %dma_start3A_83, %multiple_of3A_81] : memref<2x8x2600000xf32, #tpu.memory_space<hbm>> -> memref<2x8x128xf32, #tpu.memory_space<hbm>>
    %dma_start3A_85 = arith.constant 0 : i32
    %dma_start3A_86 = arith.constant 0 : i32
    %dma_start3A_87 = tpu.memref_slice %arg2[%dma_start3A_85, %dma_start3A_86, %multiple_of3A_81] : memref<2x8x2600000xf32, #tpu.memory_space<hbm>> -> memref<2x8x128xf32, #tpu.memory_space<hbm>>
    tpu.enqueue_dma source(%dma_start3A_87 : memref<2x8x128xf32, #tpu.memory_space<hbm>>) target(%arg12 : memref<2x8x128xf32, #tpu.memory_space<vmem>>) target_semaphore(%arg30 : memref<!tpu.dma_semaphore, #tpu.memory_space<semaphore_mem>>)
    %dma_start3A_88 = arith.constant 0 : i32
    %dma_start3A_89 = tpu.memref_slice %arg3[%dma_start3A_88, %multiple_of3A_81] : memref<1x2600000xf32, #tpu.memory_space<hbm>> -> memref<1x128xf32, #tpu.memory_space<hbm>>
    %dma_start3A_90 = arith.constant 0 : i32
    %dma_start3A_91 = tpu.memref_slice %arg3[%dma_start3A_90, %multiple_of3A_81] : memref<1x2600000xf32, #tpu.memory_space<hbm>> -> memref<1x128xf32, #tpu.memory_space<hbm>>
    tpu.enqueue_dma source(%dma_start3A_91 : memref<1x128xf32, #tpu.memory_space<hbm>>) target(%arg20 : memref<1x128xf32, #tpu.memory_space<vmem>>) target_semaphore(%arg30 : memref<!tpu.dma_semaphore, #tpu.memory_space<semaphore_mem>>)
    %get3A_92 = arith.constant 5 : index
    %get3A_93 = tpu.vector_load %arg7[%get3A_92] {strides = array<i32>} : memref<3344xi32, #tpu.memory_space<vmem>>, vector<16xi32>,
    %slice3A_94 = vector.extract_strided_slice %get3A_93 {offsets = [0], sizes = [1], strides = [1]} : vector<16xi32> to vector<1xi32>
    %squeeze3A_95 = vector.extract %slice3A_94[0] : i32 from vector<1xi32>
    %shift_right_logical3A_96 = arith.constant 7 : i32
    %shift_right_logical3A_97 = arith.shrui %squeeze3A_95, %shift_right_logical3A_96 : i32
    %mul3A_98 = arith.constant 128 : i32
    %mul3A_99 = arith.muli %shift_right_logical3A_97, %mul3A_98 : i32
    %multiple_of3A_100 = tpu.assume_multiple %mul3A_99, 128 : i32
    %dma_start3A_101 = arith.constant 0 : i32
    %dma_start3A_102 = arith.constant 0 : i32
    %dma_start3A_103 = tpu.memref_slice %arg2[%dma_start3A_101, %dma_start3A_102, %multiple_of3A_100] : memref<2x8x2600000xf32, #tpu.memory_space<hbm>> -> memref<2x8x128xf32, #tpu.memory_space<hbm>>
    %dma_start3A_104 = arith.constant 0 : i32
    %dma_start3A_105 = arith.constant 0 : i32
    %dma_start3A_106 = tpu.memref_slice %arg2[%dma_start3A_104, %dma_start3A_105, %multiple_of3A_100] : memref<2x8x2600000xf32, #tpu.memory_space<hbm>> -> memref<2x8x128xf32, #tpu.memory_space<hbm>>
    tpu.enqueue_dma source(%dma_start3A_106 : memref<2x8x128xf32, #tpu.memory_space<hbm>>) target(%arg13 : memref<2x8x128xf32, #tpu.memory_space<vmem>>) target_semaphore(%arg31 : memref<!tpu.dma_semaphore, #tpu.memory_space<semaphore_mem>>)
    %dma_start3A_107 = arith.constant 0 : i32
    %dma_start3A_108 = tpu.memref_slice %arg3[%dma_start3A_107, %multiple_of3A_100] : memref<1x2600000xf32, #tpu.memory_space<hbm>> -> memref<1x128xf32, #tpu.memory_space<hbm>>
    %dma_start3A_109 = arith.constant 0 : i32
    %dma_start3A_110 = tpu.memref_slice %arg3[%dma_start3A_109, %multiple_of3A_100] : memref<1x2600000xf32, #tpu.memory_space<hbm>> -> memref<1x128xf32, #tpu.memory_space<hbm>>
    tpu.enqueue_dma source(%dma_start3A_110 : memref<1x128xf32, #tpu.memory_space<hbm>>) target(%arg21 : memref<1x128xf32, #tpu.memory_space<vmem>>) target_semaphore(%arg31 : memref<!tpu.dma_semaphore, #tpu.memory_space<semaphore_mem>>)
    %get3A_111 = arith.constant 6 : index
    %get3A_112 = tpu.vector_load %arg7[%get3A_111] {strides = array<i32>} : memref<3344xi32, #tpu.memory_space<vmem>>, vector<16xi32>,
    %slice3A_113 = vector.extract_strided_slice %get3A_112 {offsets = [0], sizes = [1], strides = [1]} : vector<16xi32> to vector<1xi32>
    %squeeze3A_114 = vector.extract %slice3A_113[0] : i32 from vector<1xi32>
    %shift_right_logical3A_115 = arith.constant 7 : i32
    %shift_right_logical3A_116 = arith.shrui %squeeze3A_114, %shift_right_logical3A_115 : i32
    %mul3A_117 = arith.constant 128 : i32
    %mul3A_118 = arith.muli %shift_right_logical3A_116, %mul3A_117 : i32
    %multiple_of3A_119 = tpu.assume_multiple %mul3A_118, 128 : i32
    %dma_start3A_120 = arith.constant 0 : i32
    %dma_start3A_121 = arith.constant 0 : i32
    %dma_start3A_122 = tpu.memref_slice %arg2[%dma_start3A_120, %dma_start3A_121, %multiple_of3A_119] : memref<2x8x2600000xf32, #tpu.memory_space<hbm>> -> memref<2x8x128xf32, #tpu.memory_space<hbm>>
    %dma_start3A_123 = arith.constant 0 : i32
    %dma_start3A_124 = arith.constant 0 : i32
    %dma_start3A_125 = tpu.memref_slice %arg2[%dma_start3A_123, %dma_start3A_124, %multiple_of3A_119] : memref<2x8x2600000xf32, #tpu.memory_space<hbm>> -> memref<2x8x128xf32, #tpu.memory_space<hbm>>
    tpu.enqueue_dma source(%dma_start3A_125 : memref<2x8x128xf32, #tpu.memory_space<hbm>>) target(%arg14 : memref<2x8x128xf32, #tpu.memory_space<vmem>>) target_semaphore(%arg32 : memref<!tpu.dma_semaphore, #tpu.memory_space<semaphore_mem>>)
    %dma_start3A_126 = arith.constant 0 : i32
    %dma_start3A_127 = tpu.memref_slice %arg3[%dma_start3A_126, %multiple_of3A_119] : memref<1x2600000xf32, #tpu.memory_space<hbm>> -> memref<1x128xf32, #tpu.memory_space<hbm>>
    %dma_start3A_128 = arith.constant 0 : i32
    %dma_start3A_129 = tpu.memref_slice %arg3[%dma_start3A_128, %multiple_of3A_119] : memref<1x2600000xf32, #tpu.memory_space<hbm>> -> memref<1x128xf32, #tpu.memory_space<hbm>>
    tpu.enqueue_dma source(%dma_start3A_129 : memref<1x128xf32, #tpu.memory_space<hbm>>) target(%arg22 : memref<1x128xf32, #tpu.memory_space<vmem>>) target_semaphore(%arg32 : memref<!tpu.dma_semaphore, #tpu.memory_space<semaphore_mem>>)
    %get3A_130 = arith.constant 7 : index
    %get3A_131 = tpu.vector_load %arg7[%get3A_130] {strides = array<i32>} : memref<3344xi32, #tpu.memory_space<vmem>>, vector<16xi32>,
    %slice3A_132 = vector.extract_strided_slice %get3A_131 {offsets = [0], sizes = [1], strides = [1]} : vector<16xi32> to vector<1xi32>
    %squeeze3A_133 = vector.extract %slice3A_132[0] : i32 from vector<1xi32>
    %shift_right_logical3A_134 = arith.constant 7 : i32
    %shift_right_logical3A_135 = arith.shrui %squeeze3A_133, %shift_right_logical3A_134 : i32
    %mul3A_136 = arith.constant 128 : i32
    %mul3A_137 = arith.muli %shift_right_logical3A_135, %mul3A_136 : i32
    %multiple_of3A_138 = tpu.assume_multiple %mul3A_137, 128 : i32
    %dma_start3A_139 = arith.constant 0 : i32
    %dma_start3A_140 = arith.constant 0 : i32
    %dma_start3A_141 = tpu.memref_slice %arg2[%dma_start3A_139, %dma_start3A_140, %multiple_of3A_138] : memref<2x8x2600000xf32, #tpu.memory_space<hbm>> -> memref<2x8x128xf32, #tpu.memory_space<hbm>>
    %dma_start3A_142 = arith.constant 0 : i32
    %dma_start3A_143 = arith.constant 0 : i32
    %dma_start3A_144 = tpu.memref_slice %arg2[%dma_start3A_142, %dma_start3A_143, %multiple_of3A_138] : memref<2x8x2600000xf32, #tpu.memory_space<hbm>> -> memref<2x8x128xf32, #tpu.memory_space<hbm>>
    tpu.enqueue_dma source(%dma_start3A_144 : memref<2x8x128xf32, #tpu.memory_space<hbm>>) target(%arg15 : memref<2x8x128xf32, #tpu.memory_space<vmem>>) target_semaphore(%arg33 : memref<!tpu.dma_semaphore, #tpu.memory_space<semaphore_mem>>)
    %dma_start3A_145 = arith.constant 0 : i32
    %dma_start3A_146 = tpu.memref_slice %arg3[%dma_start3A_145, %multiple_of3A_138] : memref<1x2600000xf32, #tpu.memory_space<hbm>> -> memref<1x128xf32, #tpu.memory_space<hbm>>
    %dma_start3A_147 = arith.constant 0 : i32
    %dma_start3A_148 = tpu.memref_slice %arg3[%dma_start3A_147, %multiple_of3A_138] : memref<1x2600000xf32, #tpu.memory_space<hbm>> -> memref<1x128xf32, #tpu.memory_space<hbm>>
    tpu.enqueue_dma source(%dma_start3A_148 : memref<1x128xf32, #tpu.memory_space<hbm>>) target(%arg23 : memref<1x128xf32, #tpu.memory_space<vmem>>) target_semaphore(%arg33 : memref<!tpu.dma_semaphore, #tpu.memory_space<semaphore_mem>>)
    %scan3A = arith.constant 0 : i32
    %scan3A_149 = arith.constant 416 : i32
    %scan3A_150 = arith.addi %scan3A, %scan3A_149 : i32
    %scan3A_151 = arith.constant 1 : i32
    scf.for %scan3A_155 = %scan3A to %scan3A_150 step %scan3A_151  : i32 {
      %mul3A_156 = arith.constant 8 : i32
      %mul3A_157 = arith.muli %scan3A_155, %mul3A_156 : i32
      %add3A_158 = arith.constant 0 : i32
      %add3A_159 = arith.addi %add3A_158, %mul3A_157 : i32
      %dma_wait3A = arith.constant 0 : i32
      %dma_wait3A_160 = arith.constant 0 : i32
      %dma_wait3A_161 = arith.constant 0 : i32
      %dma_wait3A_162 = tpu.memref_slice %arg2[%dma_wait3A, %dma_wait3A_160, %dma_wait3A_161] : memref<2x8x2600000xf32, #tpu.memory_space<hbm>> -> memref<2x8x128xf32, #tpu.memory_space<hbm>>
      %dma_wait3A_163 = arith.constant 0 : i32
      %dma_wait3A_164 = arith.constant 0 : i32
      %dma_wait3A_165 = arith.constant 0 : i32
      %dma_wait3A_166 = tpu.memref_slice %arg2[%dma_wait3A_163, %dma_wait3A_164, %dma_wait3A_165] : memref<2x8x2600000xf32, #tpu.memory_space<hbm>> -> memref<2x8x128xf32, #tpu.memory_space<hbm>>
      tpu.wait_dma2 semaphore(%arg26 : memref<!tpu.dma_semaphore, #tpu.memory_space<semaphore_mem>>) src(%dma_wait3A_166 : memref<2x8x128xf32, #tpu.memory_space<hbm>>) dst(%arg8 : memref<2x8x128xf32, #tpu.memory_space<vmem>>)
      %dma_wait3A_167 = arith.constant 0 : i32
      %dma_wait3A_168 = arith.constant 0 : i32
      %dma_wait3A_169 = tpu.memref_slice %arg3[%dma_wait3A_167, %dma_wait3A_168] : memref<1x2600000xf32, #tpu.memory_space<hbm>> -> memref<1x128xf32, #tpu.memory_space<hbm>>
      %dma_wait3A_170 = arith.constant 0 : i32
      %dma_wait3A_171 = arith.constant 0 : i32
      %dma_wait3A_172 = tpu.memref_slice %arg3[%dma_wait3A_170, %dma_wait3A_171] : memref<1x2600000xf32, #tpu.memory_space<hbm>> -> memref<1x128xf32, #tpu.memory_space<hbm>>
      tpu.wait_dma2 semaphore(%arg26 : memref<!tpu.dma_semaphore, #tpu.memory_space<semaphore_mem>>) src(%dma_wait3A_172 : memref<1x128xf32, #tpu.memory_space<hbm>>) dst(%arg16 : memref<1x128xf32, #tpu.memory_space<vmem>>)
      %add3A_173 = arith.constant 0 : i32
      %add3A_174 = arith.addi %add3A_159, %add3A_173 : i32
      %get3A_175 = arith.index_cast %add3A_174 : i32 to index
      %get3A_176 = tpu.vector_load %arg7[%get3A_175] {strides = array<i32>} : memref<3344xi32, #tpu.memory_space<vmem>>, vector<16xi32>,
      %slice3A_177 = vector.extract_strided_slice %get3A_176 {offsets = [0], sizes = [1], strides = [1]} : vector<16xi32> to vector<1xi32>
      %squeeze3A_178 = vector.extract %slice3A_177[0] : i32 from vector<1xi32>
      %and3A = arith.constant 127 : i32
      %and3A_179 = arith.andi %squeeze3A_178, %and3A : i32
      %broadcast_in_dim3A = vector.broadcast %and3A_179 : i32 to vector<16xi32>
      %iota3A = tpu.iota {dimensions = array<i32: 0>} : vector<16xi32>
      %shift_right_logical3A_180 = arith.constant 3 : i32
      %shift_right_logical3A_181 = vector.broadcast %shift_right_logical3A_180 : i32 to vector<16xi32>
      %shift_right_logical3A_182 = arith.shrui %iota3A, %shift_right_logical3A_181 : vector<16xi32>
      %and3A_183 = arith.constant 7 : i32
      %and3A_184 = vector.broadcast %and3A_183 : i32 to vector<16xi32>
      %and3A_185 = arith.andi %iota3A, %and3A_184 : vector<16xi32>
      %gather3A = tpu.vector_load_idx %arg8[%shift_right_logical3A_182, %and3A_185, %broadcast_in_dim3A] : memref<2x8x128xf32, #tpu.memory_space<vmem>>[vector<16xi32>, vector<16xi32>, vector<16xi32>], vector<16xf32>,
      %mul3A_186 = arith.constant 16 : i32
      %mul3A_187 = arith.muli %add3A_174, %mul3A_186 : i32
      %swap3A = arith.index_cast %mul3A_187 : i32 to index
      %swap3A_188 = tpu.vector_load %arg24[%swap3A] {strides = array<i32>} : memref<53248xf32, #tpu.memory_space<vmem>>, vector<16xf32>,
      tpu.vector_store %arg24[%swap3A], %gather3A {strides = array<i32>} : memref<53248xf32, #tpu.memory_space<vmem>>, vector<16xf32>,
      %broadcast_in_dim3A_189 = arith.constant 0 : i32
      %broadcast_in_dim3A_190 = vector.broadcast %broadcast_in_dim3A_189 : i32 to vector<16xi32>
      %gather3A_191 = tpu.vector_load_idx %arg16[%broadcast_in_dim3A_190, %broadcast_in_dim3A] : memref<1x128xf32, #tpu.memory_space<vmem>>[vector<16xi32>, vector<16xi32>], vector<16xf32>,
      %swap3A_192 = arith.index_cast %add3A_174 : i32 to index
      %swap3A_193 = tpu.vector_load %arg25[%swap3A_192] {strides = array<i32>} : memref<3344xf32, #tpu.memory_space<vmem>>, vector<16xf32>,
      tpu.vector_store %arg25[%swap3A_192], %gather3A_191 {strides = array<i32>} : memref<3344xf32, #tpu.memory_space<vmem>>, vector<16xf32>,
      %add3A_194 = arith.constant 0 : i32
      %add3A_195 = arith.addi %add3A_159, %add3A_194 : i32
      %add3A_196 = arith.constant 8 : i32
      %add3A_197 = arith.addi %add3A_195, %add3A_196 : i32
      %lt3A = arith.constant 3328 : i32
      %lt3A_198 = arith.cmpi slt, %add3A_197, %lt3A : i32
      %convert_element_type3A = arith.extui %lt3A_198 : i1 to i32
      %cond3A = arith.constant 0 : i32
      %cond3A_199 = arith.cmpi ne, %convert_element_type3A, %cond3A : i32
      scf.if %cond3A_199 {
        %add3A_543 = arith.constant 0 : i32
        %add3A_544 = arith.addi %add3A_159, %add3A_543 : i32
        %add3A_545 = arith.constant 8 : i32
        %add3A_546 = arith.addi %add3A_544, %add3A_545 : i32
        %get3A_547 = arith.index_cast %add3A_546 : i32 to index
        %get3A_548 = tpu.vector_load %arg7[%get3A_547] {strides = array<i32>} : memref<3344xi32, #tpu.memory_space<vmem>>, vector<16xi32>,
        %slice3A_549 = vector.extract_strided_slice %get3A_548 {offsets = [0], sizes = [1], strides = [1]} : vector<16xi32> to vector<1xi32>
        %squeeze3A_550 = vector.extract %slice3A_549[0] : i32 from vector<1xi32>
        %shift_right_logical3A_551 = arith.constant 7 : i32
        %shift_right_logical3A_552 = arith.shrui %squeeze3A_550, %shift_right_logical3A_551 : i32
        %mul3A_553 = arith.constant 128 : i32
        %mul3A_554 = arith.muli %shift_right_logical3A_552, %mul3A_553 : i32
        %multiple_of3A_555 = tpu.assume_multiple %mul3A_554, 128 : i32
        %dma_start3A_556 = arith.constant 0 : i32
        %dma_start3A_557 = arith.constant 0 : i32
        %dma_start3A_558 = tpu.memref_slice %arg2[%dma_start3A_556, %dma_start3A_557, %multiple_of3A_555] : memref<2x8x2600000xf32, #tpu.memory_space<hbm>> -> memref<2x8x128xf32, #tpu.memory_space<hbm>>
        %dma_start3A_559 = arith.constant 0 : i32
        %dma_start3A_560 = arith.constant 0 : i32
        %dma_start3A_561 = tpu.memref_slice %arg2[%dma_start3A_559, %dma_start3A_560, %multiple_of3A_555] : memref<2x8x2600000xf32, #tpu.memory_space<hbm>> -> memref<2x8x128xf32, #tpu.memory_space<hbm>>
        tpu.enqueue_dma source(%dma_start3A_561 : memref<2x8x128xf32, #tpu.memory_space<hbm>>) target(%arg8 : memref<2x8x128xf32, #tpu.memory_space<vmem>>) target_semaphore(%arg26 : memref<!tpu.dma_semaphore, #tpu.memory_space<semaphore_mem>>)
        %dma_start3A_562 = arith.constant 0 : i32
        %dma_start3A_563 = tpu.memref_slice %arg3[%dma_start3A_562, %multiple_of3A_555] : memref<1x2600000xf32, #tpu.memory_space<hbm>> -> memref<1x128xf32, #tpu.memory_space<hbm>>
        %dma_start3A_564 = arith.constant 0 : i32
        %dma_start3A_565 = tpu.memref_slice %arg3[%dma_start3A_564, %multiple_of3A_555] : memref<1x2600000xf32, #tpu.memory_space<hbm>> -> memref<1x128xf32, #tpu.memory_space<hbm>>
        tpu.enqueue_dma source(%dma_start3A_565 : memref<1x128xf32, #tpu.memory_space<hbm>>) target(%arg16 : memref<1x128xf32, #tpu.memory_space<vmem>>) target_semaphore(%arg26 : memref<!tpu.dma_semaphore, #tpu.memory_space<semaphore_mem>>)
      } else {
      }
      %dma_wait3A_200 = arith.constant 0 : i32
      %dma_wait3A_201 = arith.constant 0 : i32
      %dma_wait3A_202 = arith.constant 0 : i32
      %dma_wait3A_203 = tpu.memref_slice %arg2[%dma_wait3A_200, %dma_wait3A_201, %dma_wait3A_202] : memref<2x8x2600000xf32, #tpu.memory_space<hbm>> -> memref<2x8x128xf32, #tpu.memory_space<hbm>>
      %dma_wait3A_204 = arith.constant 0 : i32
      %dma_wait3A_205 = arith.constant 0 : i32
      %dma_wait3A_206 = arith.constant 0 : i32
      %dma_wait3A_207 = tpu.memref_slice %arg2[%dma_wait3A_204, %dma_wait3A_205, %dma_wait3A_206] : memref<2x8x2600000xf32, #tpu.memory_space<hbm>> -> memref<2x8x128xf32, #tpu.memory_space<hbm>>
      tpu.wait_dma2 semaphore(%arg27 : memref<!tpu.dma_semaphore, #tpu.memory_space<semaphore_mem>>) src(%dma_wait3A_207 : memref<2x8x128xf32, #tpu.memory_space<hbm>>) dst(%arg9 : memref<2x8x128xf32, #tpu.memory_space<vmem>>)
      %dma_wait3A_208 = arith.constant 0 : i32
      %dma_wait3A_209 = arith.constant 0 : i32
      %dma_wait3A_210 = tpu.memref_slice %arg3[%dma_wait3A_208, %dma_wait3A_209] : memref<1x2600000xf32, #tpu.memory_space<hbm>> -> memref<1x128xf32, #tpu.memory_space<hbm>>
      %dma_wait3A_211 = arith.constant 0 : i32
      %dma_wait3A_212 = arith.constant 0 : i32
      %dma_wait3A_213 = tpu.memref_slice %arg3[%dma_wait3A_211, %dma_wait3A_212] : memref<1x2600000xf32, #tpu.memory_space<hbm>> -> memref<1x128xf32, #tpu.memory_space<hbm>>
      tpu.wait_dma2 semaphore(%arg27 : memref<!tpu.dma_semaphore, #tpu.memory_space<semaphore_mem>>) src(%dma_wait3A_213 : memref<1x128xf32, #tpu.memory_space<hbm>>) dst(%arg17 : memref<1x128xf32, #tpu.memory_space<vmem>>)
      %add3A_214 = arith.constant 1 : i32
      %add3A_215 = arith.addi %add3A_159, %add3A_214 : i32
      %get3A_216 = arith.index_cast %add3A_215 : i32 to index
      %get3A_217 = tpu.vector_load %arg7[%get3A_216] {strides = array<i32>} : memref<3344xi32, #tpu.memory_space<vmem>>, vector<16xi32>,
      %slice3A_218 = vector.extract_strided_slice %get3A_217 {offsets = [0], sizes = [1], strides = [1]} : vector<16xi32> to vector<1xi32>
      %squeeze3A_219 = vector.extract %slice3A_218[0] : i32 from vector<1xi32>
      %and3A_220 = arith.constant 127 : i32
      %and3A_221 = arith.andi %squeeze3A_219, %and3A_220 : i32
      %broadcast_in_dim3A_222 = vector.broadcast %and3A_221 : i32 to vector<16xi32>
      %iota3A_223 = tpu.iota {dimensions = array<i32: 0>} : vector<16xi32>
      %shift_right_logical3A_224 = arith.constant 3 : i32
      %shift_right_logical3A_225 = vector.broadcast %shift_right_logical3A_224 : i32 to vector<16xi32>
      %shift_right_logical3A_226 = arith.shrui %iota3A_223, %shift_right_logical3A_225 : vector<16xi32>
      %and3A_227 = arith.constant 7 : i32
      %and3A_228 = vector.broadcast %and3A_227 : i32 to vector<16xi32>
      %and3A_229 = arith.andi %iota3A_223, %and3A_228 : vector<16xi32>
      %gather3A_230 = tpu.vector_load_idx %arg9[%shift_right_logical3A_226, %and3A_229, %broadcast_in_dim3A_222] : memref<2x8x128xf32, #tpu.memory_space<vmem>>[vector<16xi32>, vector<16xi32>, vector<16xi32>], vector<16xf32>,
      %mul3A_231 = arith.constant 16 : i32
      %mul3A_232 = arith.muli %add3A_215, %mul3A_231 : i32
      %swap3A_233 = arith.index_cast %mul3A_232 : i32 to index
      %swap3A_234 = tpu.vector_load %arg24[%swap3A_233] {strides = array<i32>} : memref<53248xf32, #tpu.memory_space<vmem>>, vector<16xf32>,
      tpu.vector_store %arg24[%swap3A_233], %gather3A_230 {strides = array<i32>} : memref<53248xf32, #tpu.memory_space<vmem>>, vector<16xf32>,
      %broadcast_in_dim3A_235 = arith.constant 0 : i32
      %broadcast_in_dim3A_236 = vector.broadcast %broadcast_in_dim3A_235 : i32 to vector<16xi32>
      %gather3A_237 = tpu.vector_load_idx %arg17[%broadcast_in_dim3A_236, %broadcast_in_dim3A_222] : memref<1x128xf32, #tpu.memory_space<vmem>>[vector<16xi32>, vector<16xi32>], vector<16xf32>,
      %swap3A_238 = arith.index_cast %add3A_215 : i32 to index
      %swap3A_239 = tpu.vector_load %arg25[%swap3A_238] {strides = array<i32>} : memref<3344xf32, #tpu.memory_space<vmem>>, vector<16xf32>,
      tpu.vector_store %arg25[%swap3A_238], %gather3A_237 {strides = array<i32>} : memref<3344xf32, #tpu.memory_space<vmem>>, vector<16xf32>,
      %add3A_240 = arith.constant 1 : i32
      %add3A_241 = arith.addi %add3A_159, %add3A_240 : i32
      %add3A_242 = arith.constant 8 : i32
      %add3A_243 = arith.addi %add3A_241, %add3A_242 : i32
      %lt3A_244 = arith.constant 3328 : i32
      %lt3A_245 = arith.cmpi slt, %add3A_243, %lt3A_244 : i32
      %convert_element_type3A_246 = arith.extui %lt3A_245 : i1 to i32
      %cond3A_247 = arith.constant 0 : i32
      %cond3A_248 = arith.cmpi ne, %convert_element_type3A_246, %cond3A_247 : i32
      scf.if %cond3A_248 {
        %add3A_543 = arith.constant 1 : i32
        %add3A_544 = arith.addi %add3A_159, %add3A_543 : i32
        %add3A_545 = arith.constant 8 : i32
        %add3A_546 = arith.addi %add3A_544, %add3A_545 : i32
        %get3A_547 = arith.index_cast %add3A_546 : i32 to index
        %get3A_548 = tpu.vector_load %arg7[%get3A_547] {strides = array<i32>} : memref<3344xi32, #tpu.memory_space<vmem>>, vector<16xi32>,
        %slice3A_549 = vector.extract_strided_slice %get3A_548 {offsets = [0], sizes = [1], strides = [1]} : vector<16xi32> to vector<1xi32>
        %squeeze3A_550 = vector.extract %slice3A_549[0] : i32 from vector<1xi32>
        %shift_right_logical3A_551 = arith.constant 7 : i32
        %shift_right_logical3A_552 = arith.shrui %squeeze3A_550, %shift_right_logical3A_551 : i32
        %mul3A_553 = arith.constant 128 : i32
        %mul3A_554 = arith.muli %shift_right_logical3A_552, %mul3A_553 : i32
        %multiple_of3A_555 = tpu.assume_multiple %mul3A_554, 128 : i32
        %dma_start3A_556 = arith.constant 0 : i32
        %dma_start3A_557 = arith.constant 0 : i32
        %dma_start3A_558 = tpu.memref_slice %arg2[%dma_start3A_556, %dma_start3A_557, %multiple_of3A_555] : memref<2x8x2600000xf32, #tpu.memory_space<hbm>> -> memref<2x8x128xf32, #tpu.memory_space<hbm>>
        %dma_start3A_559 = arith.constant 0 : i32
        %dma_start3A_560 = arith.constant 0 : i32
        %dma_start3A_561 = tpu.memref_slice %arg2[%dma_start3A_559, %dma_start3A_560, %multiple_of3A_555] : memref<2x8x2600000xf32, #tpu.memory_space<hbm>> -> memref<2x8x128xf32, #tpu.memory_space<hbm>>
        tpu.enqueue_dma source(%dma_start3A_561 : memref<2x8x128xf32, #tpu.memory_space<hbm>>) target(%arg9 : memref<2x8x128xf32, #tpu.memory_space<vmem>>) target_semaphore(%arg27 : memref<!tpu.dma_semaphore, #tpu.memory_space<semaphore_mem>>)
        %dma_start3A_562 = arith.constant 0 : i32
        %dma_start3A_563 = tpu.memref_slice %arg3[%dma_start3A_562, %multiple_of3A_555] : memref<1x2600000xf32, #tpu.memory_space<hbm>> -> memref<1x128xf32, #tpu.memory_space<hbm>>
        %dma_start3A_564 = arith.constant 0 : i32
        %dma_start3A_565 = tpu.memref_slice %arg3[%dma_start3A_564, %multiple_of3A_555] : memref<1x2600000xf32, #tpu.memory_space<hbm>> -> memref<1x128xf32, #tpu.memory_space<hbm>>
        tpu.enqueue_dma source(%dma_start3A_565 : memref<1x128xf32, #tpu.memory_space<hbm>>) target(%arg17 : memref<1x128xf32, #tpu.memory_space<vmem>>) target_semaphore(%arg27 : memref<!tpu.dma_semaphore, #tpu.memory_space<semaphore_mem>>)
      } else {
      }
      %dma_wait3A_249 = arith.constant 0 : i32
      %dma_wait3A_250 = arith.constant 0 : i32
      %dma_wait3A_251 = arith.constant 0 : i32
      %dma_wait3A_252 = tpu.memref_slice %arg2[%dma_wait3A_249, %dma_wait3A_250, %dma_wait3A_251] : memref<2x8x2600000xf32, #tpu.memory_space<hbm>> -> memref<2x8x128xf32, #tpu.memory_space<hbm>>
      %dma_wait3A_253 = arith.constant 0 : i32
      %dma_wait3A_254 = arith.constant 0 : i32
      %dma_wait3A_255 = arith.constant 0 : i32
      %dma_wait3A_256 = tpu.memref_slice %arg2[%dma_wait3A_253, %dma_wait3A_254, %dma_wait3A_255] : memref<2x8x2600000xf32, #tpu.memory_space<hbm>> -> memref<2x8x128xf32, #tpu.memory_space<hbm>>
      tpu.wait_dma2 semaphore(%arg28 : memref<!tpu.dma_semaphore, #tpu.memory_space<semaphore_mem>>) src(%dma_wait3A_256 : memref<2x8x128xf32, #tpu.memory_space<hbm>>) dst(%arg10 : memref<2x8x128xf32, #tpu.memory_space<vmem>>)
      %dma_wait3A_257 = arith.constant 0 : i32
      %dma_wait3A_258 = arith.constant 0 : i32
      %dma_wait3A_259 = tpu.memref_slice %arg3[%dma_wait3A_257, %dma_wait3A_258] : memref<1x2600000xf32, #tpu.memory_space<hbm>> -> memref<1x128xf32, #tpu.memory_space<hbm>>
      %dma_wait3A_260 = arith.constant 0 : i32
      %dma_wait3A_261 = arith.constant 0 : i32
      %dma_wait3A_262 = tpu.memref_slice %arg3[%dma_wait3A_260, %dma_wait3A_261] : memref<1x2600000xf32, #tpu.memory_space<hbm>> -> memref<1x128xf32, #tpu.memory_space<hbm>>
      tpu.wait_dma2 semaphore(%arg28 : memref<!tpu.dma_semaphore, #tpu.memory_space<semaphore_mem>>) src(%dma_wait3A_262 : memref<1x128xf32, #tpu.memory_space<hbm>>) dst(%arg18 : memref<1x128xf32, #tpu.memory_space<vmem>>)
      %add3A_263 = arith.constant 2 : i32
      %add3A_264 = arith.addi %add3A_159, %add3A_263 : i32
      %get3A_265 = arith.index_cast %add3A_264 : i32 to index
      %get3A_266 = tpu.vector_load %arg7[%get3A_265] {strides = array<i32>} : memref<3344xi32, #tpu.memory_space<vmem>>, vector<16xi32>,
      %slice3A_267 = vector.extract_strided_slice %get3A_266 {offsets = [0], sizes = [1], strides = [1]} : vector<16xi32> to vector<1xi32>
      %squeeze3A_268 = vector.extract %slice3A_267[0] : i32 from vector<1xi32>
      %and3A_269 = arith.constant 127 : i32
      %and3A_270 = arith.andi %squeeze3A_268, %and3A_269 : i32
      %broadcast_in_dim3A_271 = vector.broadcast %and3A_270 : i32 to vector<16xi32>
      %iota3A_272 = tpu.iota {dimensions = array<i32: 0>} : vector<16xi32>
      %shift_right_logical3A_273 = arith.constant 3 : i32
      %shift_right_logical3A_274 = vector.broadcast %shift_right_logical3A_273 : i32 to vector<16xi32>
      %shift_right_logical3A_275 = arith.shrui %iota3A_272, %shift_right_logical3A_274 : vector<16xi32>
      %and3A_276 = arith.constant 7 : i32
      %and3A_277 = vector.broadcast %and3A_276 : i32 to vector<16xi32>
      %and3A_278 = arith.andi %iota3A_272, %and3A_277 : vector<16xi32>
      %gather3A_279 = tpu.vector_load_idx %arg10[%shift_right_logical3A_275, %and3A_278, %broadcast_in_dim3A_271] : memref<2x8x128xf32, #tpu.memory_space<vmem>>[vector<16xi32>, vector<16xi32>, vector<16xi32>], vector<16xf32>,
      %mul3A_280 = arith.constant 16 : i32
      %mul3A_281 = arith.muli %add3A_264, %mul3A_280 : i32
      %swap3A_282 = arith.index_cast %mul3A_281 : i32 to index
      %swap3A_283 = tpu.vector_load %arg24[%swap3A_282] {strides = array<i32>} : memref<53248xf32, #tpu.memory_space<vmem>>, vector<16xf32>,
      tpu.vector_store %arg24[%swap3A_282], %gather3A_279 {strides = array<i32>} : memref<53248xf32, #tpu.memory_space<vmem>>, vector<16xf32>,
      %broadcast_in_dim3A_284 = arith.constant 0 : i32
      %broadcast_in_dim3A_285 = vector.broadcast %broadcast_in_dim3A_284 : i32 to vector<16xi32>
      %gather3A_286 = tpu.vector_load_idx %arg18[%broadcast_in_dim3A_285, %broadcast_in_dim3A_271] : memref<1x128xf32, #tpu.memory_space<vmem>>[vector<16xi32>, vector<16xi32>], vector<16xf32>,
      %swap3A_287 = arith.index_cast %add3A_264 : i32 to index
      %swap3A_288 = tpu.vector_load %arg25[%swap3A_287] {strides = array<i32>} : memref<3344xf32, #tpu.memory_space<vmem>>, vector<16xf32>,
      tpu.vector_store %arg25[%swap3A_287], %gather3A_286 {strides = array<i32>} : memref<3344xf32, #tpu.memory_space<vmem>>, vector<16xf32>,
      %add3A_289 = arith.constant 2 : i32
      %add3A_290 = arith.addi %add3A_159, %add3A_289 : i32
      %add3A_291 = arith.constant 8 : i32
      %add3A_292 = arith.addi %add3A_290, %add3A_291 : i32
      %lt3A_293 = arith.constant 3328 : i32
      %lt3A_294 = arith.cmpi slt, %add3A_292, %lt3A_293 : i32
      %convert_element_type3A_295 = arith.extui %lt3A_294 : i1 to i32
      %cond3A_296 = arith.constant 0 : i32
      %cond3A_297 = arith.cmpi ne, %convert_element_type3A_295, %cond3A_296 : i32
      scf.if %cond3A_297 {
        %add3A_543 = arith.constant 2 : i32
        %add3A_544 = arith.addi %add3A_159, %add3A_543 : i32
        %add3A_545 = arith.constant 8 : i32
        %add3A_546 = arith.addi %add3A_544, %add3A_545 : i32
        %get3A_547 = arith.index_cast %add3A_546 : i32 to index
        %get3A_548 = tpu.vector_load %arg7[%get3A_547] {strides = array<i32>} : memref<3344xi32, #tpu.memory_space<vmem>>, vector<16xi32>,
        %slice3A_549 = vector.extract_strided_slice %get3A_548 {offsets = [0], sizes = [1], strides = [1]} : vector<16xi32> to vector<1xi32>
        %squeeze3A_550 = vector.extract %slice3A_549[0] : i32 from vector<1xi32>
        %shift_right_logical3A_551 = arith.constant 7 : i32
        %shift_right_logical3A_552 = arith.shrui %squeeze3A_550, %shift_right_logical3A_551 : i32
        %mul3A_553 = arith.constant 128 : i32
        %mul3A_554 = arith.muli %shift_right_logical3A_552, %mul3A_553 : i32
        %multiple_of3A_555 = tpu.assume_multiple %mul3A_554, 128 : i32
        %dma_start3A_556 = arith.constant 0 : i32
        %dma_start3A_557 = arith.constant 0 : i32
        %dma_start3A_558 = tpu.memref_slice %arg2[%dma_start3A_556, %dma_start3A_557, %multiple_of3A_555] : memref<2x8x2600000xf32, #tpu.memory_space<hbm>> -> memref<2x8x128xf32, #tpu.memory_space<hbm>>
        %dma_start3A_559 = arith.constant 0 : i32
        %dma_start3A_560 = arith.constant 0 : i32
        %dma_start3A_561 = tpu.memref_slice %arg2[%dma_start3A_559, %dma_start3A_560, %multiple_of3A_555] : memref<2x8x2600000xf32, #tpu.memory_space<hbm>> -> memref<2x8x128xf32, #tpu.memory_space<hbm>>
        tpu.enqueue_dma source(%dma_start3A_561 : memref<2x8x128xf32, #tpu.memory_space<hbm>>) target(%arg10 : memref<2x8x128xf32, #tpu.memory_space<vmem>>) target_semaphore(%arg28 : memref<!tpu.dma_semaphore, #tpu.memory_space<semaphore_mem>>)
        %dma_start3A_562 = arith.constant 0 : i32
        %dma_start3A_563 = tpu.memref_slice %arg3[%dma_start3A_562, %multiple_of3A_555] : memref<1x2600000xf32, #tpu.memory_space<hbm>> -> memref<1x128xf32, #tpu.memory_space<hbm>>
        %dma_start3A_564 = arith.constant 0 : i32
        %dma_start3A_565 = tpu.memref_slice %arg3[%dma_start3A_564, %multiple_of3A_555] : memref<1x2600000xf32, #tpu.memory_space<hbm>> -> memref<1x128xf32, #tpu.memory_space<hbm>>
        tpu.enqueue_dma source(%dma_start3A_565 : memref<1x128xf32, #tpu.memory_space<hbm>>) target(%arg18 : memref<1x128xf32, #tpu.memory_space<vmem>>) target_semaphore(%arg28 : memref<!tpu.dma_semaphore, #tpu.memory_space<semaphore_mem>>)
      } else {
      }
      %dma_wait3A_298 = arith.constant 0 : i32
      %dma_wait3A_299 = arith.constant 0 : i32
      %dma_wait3A_300 = arith.constant 0 : i32
      %dma_wait3A_301 = tpu.memref_slice %arg2[%dma_wait3A_298, %dma_wait3A_299, %dma_wait3A_300] : memref<2x8x2600000xf32, #tpu.memory_space<hbm>> -> memref<2x8x128xf32, #tpu.memory_space<hbm>>
      %dma_wait3A_302 = arith.constant 0 : i32
      %dma_wait3A_303 = arith.constant 0 : i32
      %dma_wait3A_304 = arith.constant 0 : i32
      %dma_wait3A_305 = tpu.memref_slice %arg2[%dma_wait3A_302, %dma_wait3A_303, %dma_wait3A_304] : memref<2x8x2600000xf32, #tpu.memory_space<hbm>> -> memref<2x8x128xf32, #tpu.memory_space<hbm>>
      tpu.wait_dma2 semaphore(%arg29 : memref<!tpu.dma_semaphore, #tpu.memory_space<semaphore_mem>>) src(%dma_wait3A_305 : memref<2x8x128xf32, #tpu.memory_space<hbm>>) dst(%arg11 : memref<2x8x128xf32, #tpu.memory_space<vmem>>)
      %dma_wait3A_306 = arith.constant 0 : i32
      %dma_wait3A_307 = arith.constant 0 : i32
      %dma_wait3A_308 = tpu.memref_slice %arg3[%dma_wait3A_306, %dma_wait3A_307] : memref<1x2600000xf32, #tpu.memory_space<hbm>> -> memref<1x128xf32, #tpu.memory_space<hbm>>
      %dma_wait3A_309 = arith.constant 0 : i32
      %dma_wait3A_310 = arith.constant 0 : i32
      %dma_wait3A_311 = tpu.memref_slice %arg3[%dma_wait3A_309, %dma_wait3A_310] : memref<1x2600000xf32, #tpu.memory_space<hbm>> -> memref<1x128xf32, #tpu.memory_space<hbm>>
      tpu.wait_dma2 semaphore(%arg29 : memref<!tpu.dma_semaphore, #tpu.memory_space<semaphore_mem>>) src(%dma_wait3A_311 : memref<1x128xf32, #tpu.memory_space<hbm>>) dst(%arg19 : memref<1x128xf32, #tpu.memory_space<vmem>>)
      %add3A_312 = arith.constant 3 : i32
      %add3A_313 = arith.addi %add3A_159, %add3A_312 : i32
      %get3A_314 = arith.index_cast %add3A_313 : i32 to index
      %get3A_315 = tpu.vector_load %arg7[%get3A_314] {strides = array<i32>} : memref<3344xi32, #tpu.memory_space<vmem>>, vector<16xi32>,
      %slice3A_316 = vector.extract_strided_slice %get3A_315 {offsets = [0], sizes = [1], strides = [1]} : vector<16xi32> to vector<1xi32>
      %squeeze3A_317 = vector.extract %slice3A_316[0] : i32 from vector<1xi32>
      %and3A_318 = arith.constant 127 : i32
      %and3A_319 = arith.andi %squeeze3A_317, %and3A_318 : i32
      %broadcast_in_dim3A_320 = vector.broadcast %and3A_319 : i32 to vector<16xi32>
      %iota3A_321 = tpu.iota {dimensions = array<i32: 0>} : vector<16xi32>
      %shift_right_logical3A_322 = arith.constant 3 : i32
      %shift_right_logical3A_323 = vector.broadcast %shift_right_logical3A_322 : i32 to vector<16xi32>
      %shift_right_logical3A_324 = arith.shrui %iota3A_321, %shift_right_logical3A_323 : vector<16xi32>
      %and3A_325 = arith.constant 7 : i32
      %and3A_326 = vector.broadcast %and3A_325 : i32 to vector<16xi32>
      %and3A_327 = arith.andi %iota3A_321, %and3A_326 : vector<16xi32>
      %gather3A_328 = tpu.vector_load_idx %arg11[%shift_right_logical3A_324, %and3A_327, %broadcast_in_dim3A_320] : memref<2x8x128xf32, #tpu.memory_space<vmem>>[vector<16xi32>, vector<16xi32>, vector<16xi32>], vector<16xf32>,
      %mul3A_329 = arith.constant 16 : i32
      %mul3A_330 = arith.muli %add3A_313, %mul3A_329 : i32
      %swap3A_331 = arith.index_cast %mul3A_330 : i32 to index
      %swap3A_332 = tpu.vector_load %arg24[%swap3A_331] {strides = array<i32>} : memref<53248xf32, #tpu.memory_space<vmem>>, vector<16xf32>,
      tpu.vector_store %arg24[%swap3A_331], %gather3A_328 {strides = array<i32>} : memref<53248xf32, #tpu.memory_space<vmem>>, vector<16xf32>,
      %broadcast_in_dim3A_333 = arith.constant 0 : i32
      %broadcast_in_dim3A_334 = vector.broadcast %broadcast_in_dim3A_333 : i32 to vector<16xi32>
      %gather3A_335 = tpu.vector_load_idx %arg19[%broadcast_in_dim3A_334, %broadcast_in_dim3A_320] : memref<1x128xf32, #tpu.memory_space<vmem>>[vector<16xi32>, vector<16xi32>], vector<16xf32>,
      %swap3A_336 = arith.index_cast %add3A_313 : i32 to index
      %swap3A_337 = tpu.vector_load %arg25[%swap3A_336] {strides = array<i32>} : memref<3344xf32, #tpu.memory_space<vmem>>, vector<16xf32>,
      tpu.vector_store %arg25[%swap3A_336], %gather3A_335 {strides = array<i32>} : memref<3344xf32, #tpu.memory_space<vmem>>, vector<16xf32>,
      %add3A_338 = arith.constant 3 : i32
      %add3A_339 = arith.addi %add3A_159, %add3A_338 : i32
      %add3A_340 = arith.constant 8 : i32
      %add3A_341 = arith.addi %add3A_339, %add3A_340 : i32
      %lt3A_342 = arith.constant 3328 : i32
      %lt3A_343 = arith.cmpi slt, %add3A_341, %lt3A_342 : i32
      %convert_element_type3A_344 = arith.extui %lt3A_343 : i1 to i32
      %cond3A_345 = arith.constant 0 : i32
      %cond3A_346 = arith.cmpi ne, %convert_element_type3A_344, %cond3A_345 : i32
      scf.if %cond3A_346 {
        %add3A_543 = arith.constant 3 : i32
        %add3A_544 = arith.addi %add3A_159, %add3A_543 : i32
        %add3A_545 = arith.constant 8 : i32
        %add3A_546 = arith.addi %add3A_544, %add3A_545 : i32
        %get3A_547 = arith.index_cast %add3A_546 : i32 to index
        %get3A_548 = tpu.vector_load %arg7[%get3A_547] {strides = array<i32>} : memref<3344xi32, #tpu.memory_space<vmem>>, vector<16xi32>,
        %slice3A_549 = vector.extract_strided_slice %get3A_548 {offsets = [0], sizes = [1], strides = [1]} : vector<16xi32> to vector<1xi32>
        %squeeze3A_550 = vector.extract %slice3A_549[0] : i32 from vector<1xi32>
        %shift_right_logical3A_551 = arith.constant 7 : i32
        %shift_right_logical3A_552 = arith.shrui %squeeze3A_550, %shift_right_logical3A_551 : i32
        %mul3A_553 = arith.constant 128 : i32
        %mul3A_554 = arith.muli %shift_right_logical3A_552, %mul3A_553 : i32
        %multiple_of3A_555 = tpu.assume_multiple %mul3A_554, 128 : i32
        %dma_start3A_556 = arith.constant 0 : i32
        %dma_start3A_557 = arith.constant 0 : i32
        %dma_start3A_558 = tpu.memref_slice %arg2[%dma_start3A_556, %dma_start3A_557, %multiple_of3A_555] : memref<2x8x2600000xf32, #tpu.memory_space<hbm>> -> memref<2x8x128xf32, #tpu.memory_space<hbm>>
        %dma_start3A_559 = arith.constant 0 : i32
        %dma_start3A_560 = arith.constant 0 : i32
        %dma_start3A_561 = tpu.memref_slice %arg2[%dma_start3A_559, %dma_start3A_560, %multiple_of3A_555] : memref<2x8x2600000xf32, #tpu.memory_space<hbm>> -> memref<2x8x128xf32, #tpu.memory_space<hbm>>
        tpu.enqueue_dma source(%dma_start3A_561 : memref<2x8x128xf32, #tpu.memory_space<hbm>>) target(%arg11 : memref<2x8x128xf32, #tpu.memory_space<vmem>>) target_semaphore(%arg29 : memref<!tpu.dma_semaphore, #tpu.memory_space<semaphore_mem>>)
        %dma_start3A_562 = arith.constant 0 : i32
        %dma_start3A_563 = tpu.memref_slice %arg3[%dma_start3A_562, %multiple_of3A_555] : memref<1x2600000xf32, #tpu.memory_space<hbm>> -> memref<1x128xf32, #tpu.memory_space<hbm>>
        %dma_start3A_564 = arith.constant 0 : i32
        %dma_start3A_565 = tpu.memref_slice %arg3[%dma_start3A_564, %multiple_of3A_555] : memref<1x2600000xf32, #tpu.memory_space<hbm>> -> memref<1x128xf32, #tpu.memory_space<hbm>>
        tpu.enqueue_dma source(%dma_start3A_565 : memref<1x128xf32, #tpu.memory_space<hbm>>) target(%arg19 : memref<1x128xf32, #tpu.memory_space<vmem>>) target_semaphore(%arg29 : memref<!tpu.dma_semaphore, #tpu.memory_space<semaphore_mem>>)
      } else {
      }
      %dma_wait3A_347 = arith.constant 0 : i32
      %dma_wait3A_348 = arith.constant 0 : i32
      %dma_wait3A_349 = arith.constant 0 : i32
      %dma_wait3A_350 = tpu.memref_slice %arg2[%dma_wait3A_347, %dma_wait3A_348, %dma_wait3A_349] : memref<2x8x2600000xf32, #tpu.memory_space<hbm>> -> memref<2x8x128xf32, #tpu.memory_space<hbm>>
      %dma_wait3A_351 = arith.constant 0 : i32
      %dma_wait3A_352 = arith.constant 0 : i32
      %dma_wait3A_353 = arith.constant 0 : i32
      %dma_wait3A_354 = tpu.memref_slice %arg2[%dma_wait3A_351, %dma_wait3A_352, %dma_wait3A_353] : memref<2x8x2600000xf32, #tpu.memory_space<hbm>> -> memref<2x8x128xf32, #tpu.memory_space<hbm>>
      tpu.wait_dma2 semaphore(%arg30 : memref<!tpu.dma_semaphore, #tpu.memory_space<semaphore_mem>>) src(%dma_wait3A_354 : memref<2x8x128xf32, #tpu.memory_space<hbm>>) dst(%arg12 : memref<2x8x128xf32, #tpu.memory_space<vmem>>)
      %dma_wait3A_355 = arith.constant 0 : i32
      %dma_wait3A_356 = arith.constant 0 : i32
      %dma_wait3A_357 = tpu.memref_slice %arg3[%dma_wait3A_355, %dma_wait3A_356] : memref<1x2600000xf32, #tpu.memory_space<hbm>> -> memref<1x128xf32, #tpu.memory_space<hbm>>
      %dma_wait3A_358 = arith.constant 0 : i32
      %dma_wait3A_359 = arith.constant 0 : i32
      %dma_wait3A_360 = tpu.memref_slice %arg3[%dma_wait3A_358, %dma_wait3A_359] : memref<1x2600000xf32, #tpu.memory_space<hbm>> -> memref<1x128xf32, #tpu.memory_space<hbm>>
      tpu.wait_dma2 semaphore(%arg30 : memref<!tpu.dma_semaphore, #tpu.memory_space<semaphore_mem>>) src(%dma_wait3A_360 : memref<1x128xf32, #tpu.memory_space<hbm>>) dst(%arg20 : memref<1x128xf32, #tpu.memory_space<vmem>>)
      %add3A_361 = arith.constant 4 : i32
      %add3A_362 = arith.addi %add3A_159, %add3A_361 : i32
      %get3A_363 = arith.index_cast %add3A_362 : i32 to index
      %get3A_364 = tpu.vector_load %arg7[%get3A_363] {strides = array<i32>} : memref<3344xi32, #tpu.memory_space<vmem>>, vector<16xi32>,
      %slice3A_365 = vector.extract_strided_slice %get3A_364 {offsets = [0], sizes = [1], strides = [1]} : vector<16xi32> to vector<1xi32>
      %squeeze3A_366 = vector.extract %slice3A_365[0] : i32 from vector<1xi32>
      %and3A_367 = arith.constant 127 : i32
      %and3A_368 = arith.andi %squeeze3A_366, %and3A_367 : i32
      %broadcast_in_dim3A_369 = vector.broadcast %and3A_368 : i32 to vector<16xi32>
      %iota3A_370 = tpu.iota {dimensions = array<i32: 0>} : vector<16xi32>
      %shift_right_logical3A_371 = arith.constant 3 : i32
      %shift_right_logical3A_372 = vector.broadcast %shift_right_logical3A_371 : i32 to vector<16xi32>
      %shift_right_logical3A_373 = arith.shrui %iota3A_370, %shift_right_logical3A_372 : vector<16xi32>
      %and3A_374 = arith.constant 7 : i32
      %and3A_375 = vector.broadcast %and3A_374 : i32 to vector<16xi32>
      %and3A_376 = arith.andi %iota3A_370, %and3A_375 : vector<16xi32>
      %gather3A_377 = tpu.vector_load_idx %arg12[%shift_right_logical3A_373, %and3A_376, %broadcast_in_dim3A_369] : memref<2x8x128xf32, #tpu.memory_space<vmem>>[vector<16xi32>, vector<16xi32>, vector<16xi32>], vector<16xf32>,
      %mul3A_378 = arith.constant 16 : i32
      %mul3A_379 = arith.muli %add3A_362, %mul3A_378 : i32
      %swap3A_380 = arith.index_cast %mul3A_379 : i32 to index
      %swap3A_381 = tpu.vector_load %arg24[%swap3A_380] {strides = array<i32>} : memref<53248xf32, #tpu.memory_space<vmem>>, vector<16xf32>,
      tpu.vector_store %arg24[%swap3A_380], %gather3A_377 {strides = array<i32>} : memref<53248xf32, #tpu.memory_space<vmem>>, vector<16xf32>,
      %broadcast_in_dim3A_382 = arith.constant 0 : i32
      %broadcast_in_dim3A_383 = vector.broadcast %broadcast_in_dim3A_382 : i32 to vector<16xi32>
      %gather3A_384 = tpu.vector_load_idx %arg20[%broadcast_in_dim3A_383, %broadcast_in_dim3A_369] : memref<1x128xf32, #tpu.memory_space<vmem>>[vector<16xi32>, vector<16xi32>], vector<16xf32>,
      %swap3A_385 = arith.index_cast %add3A_362 : i32 to index
      %swap3A_386 = tpu.vector_load %arg25[%swap3A_385] {strides = array<i32>} : memref<3344xf32, #tpu.memory_space<vmem>>, vector<16xf32>,
      tpu.vector_store %arg25[%swap3A_385], %gather3A_384 {strides = array<i32>} : memref<3344xf32, #tpu.memory_space<vmem>>, vector<16xf32>,
      %add3A_387 = arith.constant 4 : i32
      %add3A_388 = arith.addi %add3A_159, %add3A_387 : i32
      %add3A_389 = arith.constant 8 : i32
      %add3A_390 = arith.addi %add3A_388, %add3A_389 : i32
      %lt3A_391 = arith.constant 3328 : i32
      %lt3A_392 = arith.cmpi slt, %add3A_390, %lt3A_391 : i32
      %convert_element_type3A_393 = arith.extui %lt3A_392 : i1 to i32
      %cond3A_394 = arith.constant 0 : i32
      %cond3A_395 = arith.cmpi ne, %convert_element_type3A_393, %cond3A_394 : i32
      scf.if %cond3A_395 {
        %add3A_543 = arith.constant 4 : i32
        %add3A_544 = arith.addi %add3A_159, %add3A_543 : i32
        %add3A_545 = arith.constant 8 : i32
        %add3A_546 = arith.addi %add3A_544, %add3A_545 : i32
        %get3A_547 = arith.index_cast %add3A_546 : i32 to index
        %get3A_548 = tpu.vector_load %arg7[%get3A_547] {strides = array<i32>} : memref<3344xi32, #tpu.memory_space<vmem>>, vector<16xi32>,
        %slice3A_549 = vector.extract_strided_slice %get3A_548 {offsets = [0], sizes = [1], strides = [1]} : vector<16xi32> to vector<1xi32>
        %squeeze3A_550 = vector.extract %slice3A_549[0] : i32 from vector<1xi32>
        %shift_right_logical3A_551 = arith.constant 7 : i32
        %shift_right_logical3A_552 = arith.shrui %squeeze3A_550, %shift_right_logical3A_551 : i32
        %mul3A_553 = arith.constant 128 : i32
        %mul3A_554 = arith.muli %shift_right_logical3A_552, %mul3A_553 : i32
        %multiple_of3A_555 = tpu.assume_multiple %mul3A_554, 128 : i32
        %dma_start3A_556 = arith.constant 0 : i32
        %dma_start3A_557 = arith.constant 0 : i32
        %dma_start3A_558 = tpu.memref_slice %arg2[%dma_start3A_556, %dma_start3A_557, %multiple_of3A_555] : memref<2x8x2600000xf32, #tpu.memory_space<hbm>> -> memref<2x8x128xf32, #tpu.memory_space<hbm>>
        %dma_start3A_559 = arith.constant 0 : i32
        %dma_start3A_560 = arith.constant 0 : i32
        %dma_start3A_561 = tpu.memref_slice %arg2[%dma_start3A_559, %dma_start3A_560, %multiple_of3A_555] : memref<2x8x2600000xf32, #tpu.memory_space<hbm>> -> memref<2x8x128xf32, #tpu.memory_space<hbm>>
        tpu.enqueue_dma source(%dma_start3A_561 : memref<2x8x128xf32, #tpu.memory_space<hbm>>) target(%arg12 : memref<2x8x128xf32, #tpu.memory_space<vmem>>) target_semaphore(%arg30 : memref<!tpu.dma_semaphore, #tpu.memory_space<semaphore_mem>>)
        %dma_start3A_562 = arith.constant 0 : i32
        %dma_start3A_563 = tpu.memref_slice %arg3[%dma_start3A_562, %multiple_of3A_555] : memref<1x2600000xf32, #tpu.memory_space<hbm>> -> memref<1x128xf32, #tpu.memory_space<hbm>>
        %dma_start3A_564 = arith.constant 0 : i32
        %dma_start3A_565 = tpu.memref_slice %arg3[%dma_start3A_564, %multiple_of3A_555] : memref<1x2600000xf32, #tpu.memory_space<hbm>> -> memref<1x128xf32, #tpu.memory_space<hbm>>
        tpu.enqueue_dma source(%dma_start3A_565 : memref<1x128xf32, #tpu.memory_space<hbm>>) target(%arg20 : memref<1x128xf32, #tpu.memory_space<vmem>>) target_semaphore(%arg30 : memref<!tpu.dma_semaphore, #tpu.memory_space<semaphore_mem>>)
      } else {
      }
      %dma_wait3A_396 = arith.constant 0 : i32
      %dma_wait3A_397 = arith.constant 0 : i32
      %dma_wait3A_398 = arith.constant 0 : i32
      %dma_wait3A_399 = tpu.memref_slice %arg2[%dma_wait3A_396, %dma_wait3A_397, %dma_wait3A_398] : memref<2x8x2600000xf32, #tpu.memory_space<hbm>> -> memref<2x8x128xf32, #tpu.memory_space<hbm>>
      %dma_wait3A_400 = arith.constant 0 : i32
      %dma_wait3A_401 = arith.constant 0 : i32
      %dma_wait3A_402 = arith.constant 0 : i32
      %dma_wait3A_403 = tpu.memref_slice %arg2[%dma_wait3A_400, %dma_wait3A_401, %dma_wait3A_402] : memref<2x8x2600000xf32, #tpu.memory_space<hbm>> -> memref<2x8x128xf32, #tpu.memory_space<hbm>>
      tpu.wait_dma2 semaphore(%arg31 : memref<!tpu.dma_semaphore, #tpu.memory_space<semaphore_mem>>) src(%dma_wait3A_403 : memref<2x8x128xf32, #tpu.memory_space<hbm>>) dst(%arg13 : memref<2x8x128xf32, #tpu.memory_space<vmem>>)
      %dma_wait3A_404 = arith.constant 0 : i32
      %dma_wait3A_405 = arith.constant 0 : i32
      %dma_wait3A_406 = tpu.memref_slice %arg3[%dma_wait3A_404, %dma_wait3A_405] : memref<1x2600000xf32, #tpu.memory_space<hbm>> -> memref<1x128xf32, #tpu.memory_space<hbm>>
      %dma_wait3A_407 = arith.constant 0 : i32
      %dma_wait3A_408 = arith.constant 0 : i32
      %dma_wait3A_409 = tpu.memref_slice %arg3[%dma_wait3A_407, %dma_wait3A_408] : memref<1x2600000xf32, #tpu.memory_space<hbm>> -> memref<1x128xf32, #tpu.memory_space<hbm>>
      tpu.wait_dma2 semaphore(%arg31 : memref<!tpu.dma_semaphore, #tpu.memory_space<semaphore_mem>>) src(%dma_wait3A_409 : memref<1x128xf32, #tpu.memory_space<hbm>>) dst(%arg21 : memref<1x128xf32, #tpu.memory_space<vmem>>)
      %add3A_410 = arith.constant 5 : i32
      %add3A_411 = arith.addi %add3A_159, %add3A_410 : i32
      %get3A_412 = arith.index_cast %add3A_411 : i32 to index
      %get3A_413 = tpu.vector_load %arg7[%get3A_412] {strides = array<i32>} : memref<3344xi32, #tpu.memory_space<vmem>>, vector<16xi32>,
      %slice3A_414 = vector.extract_strided_slice %get3A_413 {offsets = [0], sizes = [1], strides = [1]} : vector<16xi32> to vector<1xi32>
      %squeeze3A_415 = vector.extract %slice3A_414[0] : i32 from vector<1xi32>
      %and3A_416 = arith.constant 127 : i32
      %and3A_417 = arith.andi %squeeze3A_415, %and3A_416 : i32
      %broadcast_in_dim3A_418 = vector.broadcast %and3A_417 : i32 to vector<16xi32>
      %iota3A_419 = tpu.iota {dimensions = array<i32: 0>} : vector<16xi32>
      %shift_right_logical3A_420 = arith.constant 3 : i32
      %shift_right_logical3A_421 = vector.broadcast %shift_right_logical3A_420 : i32 to vector<16xi32>
      %shift_right_logical3A_422 = arith.shrui %iota3A_419, %shift_right_logical3A_421 : vector<16xi32>
      %and3A_423 = arith.constant 7 : i32
      %and3A_424 = vector.broadcast %and3A_423 : i32 to vector<16xi32>
      %and3A_425 = arith.andi %iota3A_419, %and3A_424 : vector<16xi32>
      %gather3A_426 = tpu.vector_load_idx %arg13[%shift_right_logical3A_422, %and3A_425, %broadcast_in_dim3A_418] : memref<2x8x128xf32, #tpu.memory_space<vmem>>[vector<16xi32>, vector<16xi32>, vector<16xi32>], vector<16xf32>,
      %mul3A_427 = arith.constant 16 : i32
      %mul3A_428 = arith.muli %add3A_411, %mul3A_427 : i32
      %swap3A_429 = arith.index_cast %mul3A_428 : i32 to index
      %swap3A_430 = tpu.vector_load %arg24[%swap3A_429] {strides = array<i32>} : memref<53248xf32, #tpu.memory_space<vmem>>, vector<16xf32>,
      tpu.vector_store %arg24[%swap3A_429], %gather3A_426 {strides = array<i32>} : memref<53248xf32, #tpu.memory_space<vmem>>, vector<16xf32>,
      %broadcast_in_dim3A_431 = arith.constant 0 : i32
      %broadcast_in_dim3A_432 = vector.broadcast %broadcast_in_dim3A_431 : i32 to vector<16xi32>
      %gather3A_433 = tpu.vector_load_idx %arg21[%broadcast_in_dim3A_432, %broadcast_in_dim3A_418] : memref<1x128xf32, #tpu.memory_space<vmem>>[vector<16xi32>, vector<16xi32>], vector<16xf32>,
      %swap3A_434 = arith.index_cast %add3A_411 : i32 to index
      %swap3A_435 = tpu.vector_load %arg25[%swap3A_434] {strides = array<i32>} : memref<3344xf32, #tpu.memory_space<vmem>>, vector<16xf32>,
      tpu.vector_store %arg25[%swap3A_434], %gather3A_433 {strides = array<i32>} : memref<3344xf32, #tpu.memory_space<vmem>>, vector<16xf32>,
      %add3A_436 = arith.constant 5 : i32
      %add3A_437 = arith.addi %add3A_159, %add3A_436 : i32
      %add3A_438 = arith.constant 8 : i32
      %add3A_439 = arith.addi %add3A_437, %add3A_438 : i32
      %lt3A_440 = arith.constant 3328 : i32
      %lt3A_441 = arith.cmpi slt, %add3A_439, %lt3A_440 : i32
      %convert_element_type3A_442 = arith.extui %lt3A_441 : i1 to i32
      %cond3A_443 = arith.constant 0 : i32
      %cond3A_444 = arith.cmpi ne, %convert_element_type3A_442, %cond3A_443 : i32
      scf.if %cond3A_444 {
        %add3A_543 = arith.constant 5 : i32
        %add3A_544 = arith.addi %add3A_159, %add3A_543 : i32
        %add3A_545 = arith.constant 8 : i32
        %add3A_546 = arith.addi %add3A_544, %add3A_545 : i32
        %get3A_547 = arith.index_cast %add3A_546 : i32 to index
        %get3A_548 = tpu.vector_load %arg7[%get3A_547] {strides = array<i32>} : memref<3344xi32, #tpu.memory_space<vmem>>, vector<16xi32>,
        %slice3A_549 = vector.extract_strided_slice %get3A_548 {offsets = [0], sizes = [1], strides = [1]} : vector<16xi32> to vector<1xi32>
        %squeeze3A_550 = vector.extract %slice3A_549[0] : i32 from vector<1xi32>
        %shift_right_logical3A_551 = arith.constant 7 : i32
        %shift_right_logical3A_552 = arith.shrui %squeeze3A_550, %shift_right_logical3A_551 : i32
        %mul3A_553 = arith.constant 128 : i32
        %mul3A_554 = arith.muli %shift_right_logical3A_552, %mul3A_553 : i32
        %multiple_of3A_555 = tpu.assume_multiple %mul3A_554, 128 : i32
        %dma_start3A_556 = arith.constant 0 : i32
        %dma_start3A_557 = arith.constant 0 : i32
        %dma_start3A_558 = tpu.memref_slice %arg2[%dma_start3A_556, %dma_start3A_557, %multiple_of3A_555] : memref<2x8x2600000xf32, #tpu.memory_space<hbm>> -> memref<2x8x128xf32, #tpu.memory_space<hbm>>
        %dma_start3A_559 = arith.constant 0 : i32
        %dma_start3A_560 = arith.constant 0 : i32
        %dma_start3A_561 = tpu.memref_slice %arg2[%dma_start3A_559, %dma_start3A_560, %multiple_of3A_555] : memref<2x8x2600000xf32, #tpu.memory_space<hbm>> -> memref<2x8x128xf32, #tpu.memory_space<hbm>>
        tpu.enqueue_dma source(%dma_start3A_561 : memref<2x8x128xf32, #tpu.memory_space<hbm>>) target(%arg13 : memref<2x8x128xf32, #tpu.memory_space<vmem>>) target_semaphore(%arg31 : memref<!tpu.dma_semaphore, #tpu.memory_space<semaphore_mem>>)
        %dma_start3A_562 = arith.constant 0 : i32
        %dma_start3A_563 = tpu.memref_slice %arg3[%dma_start3A_562, %multiple_of3A_555] : memref<1x2600000xf32, #tpu.memory_space<hbm>> -> memref<1x128xf32, #tpu.memory_space<hbm>>
        %dma_start3A_564 = arith.constant 0 : i32
        %dma_start3A_565 = tpu.memref_slice %arg3[%dma_start3A_564, %multiple_of3A_555] : memref<1x2600000xf32, #tpu.memory_space<hbm>> -> memref<1x128xf32, #tpu.memory_space<hbm>>
        tpu.enqueue_dma source(%dma_start3A_565 : memref<1x128xf32, #tpu.memory_space<hbm>>) target(%arg21 : memref<1x128xf32, #tpu.memory_space<vmem>>) target_semaphore(%arg31 : memref<!tpu.dma_semaphore, #tpu.memory_space<semaphore_mem>>)
      } else {
      }
      %dma_wait3A_445 = arith.constant 0 : i32
      %dma_wait3A_446 = arith.constant 0 : i32
      %dma_wait3A_447 = arith.constant 0 : i32
      %dma_wait3A_448 = tpu.memref_slice %arg2[%dma_wait3A_445, %dma_wait3A_446, %dma_wait3A_447] : memref<2x8x2600000xf32, #tpu.memory_space<hbm>> -> memref<2x8x128xf32, #tpu.memory_space<hbm>>
      %dma_wait3A_449 = arith.constant 0 : i32
      %dma_wait3A_450 = arith.constant 0 : i32
      %dma_wait3A_451 = arith.constant 0 : i32
      %dma_wait3A_452 = tpu.memref_slice %arg2[%dma_wait3A_449, %dma_wait3A_450, %dma_wait3A_451] : memref<2x8x2600000xf32, #tpu.memory_space<hbm>> -> memref<2x8x128xf32, #tpu.memory_space<hbm>>
      tpu.wait_dma2 semaphore(%arg32 : memref<!tpu.dma_semaphore, #tpu.memory_space<semaphore_mem>>) src(%dma_wait3A_452 : memref<2x8x128xf32, #tpu.memory_space<hbm>>) dst(%arg14 : memref<2x8x128xf32, #tpu.memory_space<vmem>>)
      %dma_wait3A_453 = arith.constant 0 : i32
      %dma_wait3A_454 = arith.constant 0 : i32
      %dma_wait3A_455 = tpu.memref_slice %arg3[%dma_wait3A_453, %dma_wait3A_454] : memref<1x2600000xf32, #tpu.memory_space<hbm>> -> memref<1x128xf32, #tpu.memory_space<hbm>>
      %dma_wait3A_456 = arith.constant 0 : i32
      %dma_wait3A_457 = arith.constant 0 : i32
      %dma_wait3A_458 = tpu.memref_slice %arg3[%dma_wait3A_456, %dma_wait3A_457] : memref<1x2600000xf32, #tpu.memory_space<hbm>> -> memref<1x128xf32, #tpu.memory_space<hbm>>
      tpu.wait_dma2 semaphore(%arg32 : memref<!tpu.dma_semaphore, #tpu.memory_space<semaphore_mem>>) src(%dma_wait3A_458 : memref<1x128xf32, #tpu.memory_space<hbm>>) dst(%arg22 : memref<1x128xf32, #tpu.memory_space<vmem>>)
      %add3A_459 = arith.constant 6 : i32
      %add3A_460 = arith.addi %add3A_159, %add3A_459 : i32
      %get3A_461 = arith.index_cast %add3A_460 : i32 to index
      %get3A_462 = tpu.vector_load %arg7[%get3A_461] {strides = array<i32>} : memref<3344xi32, #tpu.memory_space<vmem>>, vector<16xi32>,
      %slice3A_463 = vector.extract_strided_slice %get3A_462 {offsets = [0], sizes = [1], strides = [1]} : vector<16xi32> to vector<1xi32>
      %squeeze3A_464 = vector.extract %slice3A_463[0] : i32 from vector<1xi32>
      %and3A_465 = arith.constant 127 : i32
      %and3A_466 = arith.andi %squeeze3A_464, %and3A_465 : i32
      %broadcast_in_dim3A_467 = vector.broadcast %and3A_466 : i32 to vector<16xi32>
      %iota3A_468 = tpu.iota {dimensions = array<i32: 0>} : vector<16xi32>
      %shift_right_logical3A_469 = arith.constant 3 : i32
      %shift_right_logical3A_470 = vector.broadcast %shift_right_logical3A_469 : i32 to vector<16xi32>
      %shift_right_logical3A_471 = arith.shrui %iota3A_468, %shift_right_logical3A_470 : vector<16xi32>
      %and3A_472 = arith.constant 7 : i32
      %and3A_473 = vector.broadcast %and3A_472 : i32 to vector<16xi32>
      %and3A_474 = arith.andi %iota3A_468, %and3A_473 : vector<16xi32>
      %gather3A_475 = tpu.vector_load_idx %arg14[%shift_right_logical3A_471, %and3A_474, %broadcast_in_dim3A_467] : memref<2x8x128xf32, #tpu.memory_space<vmem>>[vector<16xi32>, vector<16xi32>, vector<16xi32>], vector<16xf32>,
      %mul3A_476 = arith.constant 16 : i32
      %mul3A_477 = arith.muli %add3A_460, %mul3A_476 : i32
      %swap3A_478 = arith.index_cast %mul3A_477 : i32 to index
      %swap3A_479 = tpu.vector_load %arg24[%swap3A_478] {strides = array<i32>} : memref<53248xf32, #tpu.memory_space<vmem>>, vector<16xf32>,
      tpu.vector_store %arg24[%swap3A_478], %gather3A_475 {strides = array<i32>} : memref<53248xf32, #tpu.memory_space<vmem>>, vector<16xf32>,
      %broadcast_in_dim3A_480 = arith.constant 0 : i32
      %broadcast_in_dim3A_481 = vector.broadcast %broadcast_in_dim3A_480 : i32 to vector<16xi32>
      %gather3A_482 = tpu.vector_load_idx %arg22[%broadcast_in_dim3A_481, %broadcast_in_dim3A_467] : memref<1x128xf32, #tpu.memory_space<vmem>>[vector<16xi32>, vector<16xi32>], vector<16xf32>,
      %swap3A_483 = arith.index_cast %add3A_460 : i32 to index
      %swap3A_484 = tpu.vector_load %arg25[%swap3A_483] {strides = array<i32>} : memref<3344xf32, #tpu.memory_space<vmem>>, vector<16xf32>,
      tpu.vector_store %arg25[%swap3A_483], %gather3A_482 {strides = array<i32>} : memref<3344xf32, #tpu.memory_space<vmem>>, vector<16xf32>,
      %add3A_485 = arith.constant 6 : i32
      %add3A_486 = arith.addi %add3A_159, %add3A_485 : i32
      %add3A_487 = arith.constant 8 : i32
      %add3A_488 = arith.addi %add3A_486, %add3A_487 : i32
      %lt3A_489 = arith.constant 3328 : i32
      %lt3A_490 = arith.cmpi slt, %add3A_488, %lt3A_489 : i32
      %convert_element_type3A_491 = arith.extui %lt3A_490 : i1 to i32
      %cond3A_492 = arith.constant 0 : i32
      %cond3A_493 = arith.cmpi ne, %convert_element_type3A_491, %cond3A_492 : i32
      scf.if %cond3A_493 {
        %add3A_543 = arith.constant 6 : i32
        %add3A_544 = arith.addi %add3A_159, %add3A_543 : i32
        %add3A_545 = arith.constant 8 : i32
        %add3A_546 = arith.addi %add3A_544, %add3A_545 : i32
        %get3A_547 = arith.index_cast %add3A_546 : i32 to index
        %get3A_548 = tpu.vector_load %arg7[%get3A_547] {strides = array<i32>} : memref<3344xi32, #tpu.memory_space<vmem>>, vector<16xi32>,
        %slice3A_549 = vector.extract_strided_slice %get3A_548 {offsets = [0], sizes = [1], strides = [1]} : vector<16xi32> to vector<1xi32>
        %squeeze3A_550 = vector.extract %slice3A_549[0] : i32 from vector<1xi32>
        %shift_right_logical3A_551 = arith.constant 7 : i32
        %shift_right_logical3A_552 = arith.shrui %squeeze3A_550, %shift_right_logical3A_551 : i32
        %mul3A_553 = arith.constant 128 : i32
        %mul3A_554 = arith.muli %shift_right_logical3A_552, %mul3A_553 : i32
        %multiple_of3A_555 = tpu.assume_multiple %mul3A_554, 128 : i32
        %dma_start3A_556 = arith.constant 0 : i32
        %dma_start3A_557 = arith.constant 0 : i32
        %dma_start3A_558 = tpu.memref_slice %arg2[%dma_start3A_556, %dma_start3A_557, %multiple_of3A_555] : memref<2x8x2600000xf32, #tpu.memory_space<hbm>> -> memref<2x8x128xf32, #tpu.memory_space<hbm>>
        %dma_start3A_559 = arith.constant 0 : i32
        %dma_start3A_560 = arith.constant 0 : i32
        %dma_start3A_561 = tpu.memref_slice %arg2[%dma_start3A_559, %dma_start3A_560, %multiple_of3A_555] : memref<2x8x2600000xf32, #tpu.memory_space<hbm>> -> memref<2x8x128xf32, #tpu.memory_space<hbm>>
        tpu.enqueue_dma source(%dma_start3A_561 : memref<2x8x128xf32, #tpu.memory_space<hbm>>) target(%arg14 : memref<2x8x128xf32, #tpu.memory_space<vmem>>) target_semaphore(%arg32 : memref<!tpu.dma_semaphore, #tpu.memory_space<semaphore_mem>>)
        %dma_start3A_562 = arith.constant 0 : i32
        %dma_start3A_563 = tpu.memref_slice %arg3[%dma_start3A_562, %multiple_of3A_555] : memref<1x2600000xf32, #tpu.memory_space<hbm>> -> memref<1x128xf32, #tpu.memory_space<hbm>>
        %dma_start3A_564 = arith.constant 0 : i32
        %dma_start3A_565 = tpu.memref_slice %arg3[%dma_start3A_564, %multiple_of3A_555] : memref<1x2600000xf32, #tpu.memory_space<hbm>> -> memref<1x128xf32, #tpu.memory_space<hbm>>
        tpu.enqueue_dma source(%dma_start3A_565 : memref<1x128xf32, #tpu.memory_space<hbm>>) target(%arg22 : memref<1x128xf32, #tpu.memory_space<vmem>>) target_semaphore(%arg32 : memref<!tpu.dma_semaphore, #tpu.memory_space<semaphore_mem>>)
      } else {
      }
      %dma_wait3A_494 = arith.constant 0 : i32
      %dma_wait3A_495 = arith.constant 0 : i32
      %dma_wait3A_496 = arith.constant 0 : i32
      %dma_wait3A_497 = tpu.memref_slice %arg2[%dma_wait3A_494, %dma_wait3A_495, %dma_wait3A_496] : memref<2x8x2600000xf32, #tpu.memory_space<hbm>> -> memref<2x8x128xf32, #tpu.memory_space<hbm>>
      %dma_wait3A_498 = arith.constant 0 : i32
      %dma_wait3A_499 = arith.constant 0 : i32
      %dma_wait3A_500 = arith.constant 0 : i32
      %dma_wait3A_501 = tpu.memref_slice %arg2[%dma_wait3A_498, %dma_wait3A_499, %dma_wait3A_500] : memref<2x8x2600000xf32, #tpu.memory_space<hbm>> -> memref<2x8x128xf32, #tpu.memory_space<hbm>>
      tpu.wait_dma2 semaphore(%arg33 : memref<!tpu.dma_semaphore, #tpu.memory_space<semaphore_mem>>) src(%dma_wait3A_501 : memref<2x8x128xf32, #tpu.memory_space<hbm>>) dst(%arg15 : memref<2x8x128xf32, #tpu.memory_space<vmem>>)
      %dma_wait3A_502 = arith.constant 0 : i32
      %dma_wait3A_503 = arith.constant 0 : i32
      %dma_wait3A_504 = tpu.memref_slice %arg3[%dma_wait3A_502, %dma_wait3A_503] : memref<1x2600000xf32, #tpu.memory_space<hbm>> -> memref<1x128xf32, #tpu.memory_space<hbm>>
      %dma_wait3A_505 = arith.constant 0 : i32
      %dma_wait3A_506 = arith.constant 0 : i32
      %dma_wait3A_507 = tpu.memref_slice %arg3[%dma_wait3A_505, %dma_wait3A_506] : memref<1x2600000xf32, #tpu.memory_space<hbm>> -> memref<1x128xf32, #tpu.memory_space<hbm>>
      tpu.wait_dma2 semaphore(%arg33 : memref<!tpu.dma_semaphore, #tpu.memory_space<semaphore_mem>>) src(%dma_wait3A_507 : memref<1x128xf32, #tpu.memory_space<hbm>>) dst(%arg23 : memref<1x128xf32, #tpu.memory_space<vmem>>)
      %add3A_508 = arith.constant 7 : i32
      %add3A_509 = arith.addi %add3A_159, %add3A_508 : i32
      %get3A_510 = arith.index_cast %add3A_509 : i32 to index
      %get3A_511 = tpu.vector_load %arg7[%get3A_510] {strides = array<i32>} : memref<3344xi32, #tpu.memory_space<vmem>>, vector<16xi32>,
      %slice3A_512 = vector.extract_strided_slice %get3A_511 {offsets = [0], sizes = [1], strides = [1]} : vector<16xi32> to vector<1xi32>
      %squeeze3A_513 = vector.extract %slice3A_512[0] : i32 from vector<1xi32>
      %and3A_514 = arith.constant 127 : i32
      %and3A_515 = arith.andi %squeeze3A_513, %and3A_514 : i32
      %broadcast_in_dim3A_516 = vector.broadcast %and3A_515 : i32 to vector<16xi32>
      %iota3A_517 = tpu.iota {dimensions = array<i32: 0>} : vector<16xi32>
      %shift_right_logical3A_518 = arith.constant 3 : i32
      %shift_right_logical3A_519 = vector.broadcast %shift_right_logical3A_518 : i32 to vector<16xi32>
      %shift_right_logical3A_520 = arith.shrui %iota3A_517, %shift_right_logical3A_519 : vector<16xi32>
      %and3A_521 = arith.constant 7 : i32
      %and3A_522 = vector.broadcast %and3A_521 : i32 to vector<16xi32>
      %and3A_523 = arith.andi %iota3A_517, %and3A_522 : vector<16xi32>
      %gather3A_524 = tpu.vector_load_idx %arg15[%shift_right_logical3A_520, %and3A_523, %broadcast_in_dim3A_516] : memref<2x8x128xf32, #tpu.memory_space<vmem>>[vector<16xi32>, vector<16xi32>, vector<16xi32>], vector<16xf32>,
      %mul3A_525 = arith.constant 16 : i32
      %mul3A_526 = arith.muli %add3A_509, %mul3A_525 : i32
      %swap3A_527 = arith.index_cast %mul3A_526 : i32 to index
      %swap3A_528 = tpu.vector_load %arg24[%swap3A_527] {strides = array<i32>} : memref<53248xf32, #tpu.memory_space<vmem>>, vector<16xf32>,
      tpu.vector_store %arg24[%swap3A_527], %gather3A_524 {strides = array<i32>} : memref<53248xf32, #tpu.memory_space<vmem>>, vector<16xf32>,
      %broadcast_in_dim3A_529 = arith.constant 0 : i32
      %broadcast_in_dim3A_530 = vector.broadcast %broadcast_in_dim3A_529 : i32 to vector<16xi32>
      %gather3A_531 = tpu.vector_load_idx %arg23[%broadcast_in_dim3A_530, %broadcast_in_dim3A_516] : memref<1x128xf32, #tpu.memory_space<vmem>>[vector<16xi32>, vector<16xi32>], vector<16xf32>,
      %swap3A_532 = arith.index_cast %add3A_509 : i32 to index
      %swap3A_533 = tpu.vector_load %arg25[%swap3A_532] {strides = array<i32>} : memref<3344xf32, #tpu.memory_space<vmem>>, vector<16xf32>,
      tpu.vector_store %arg25[%swap3A_532], %gather3A_531 {strides = array<i32>} : memref<3344xf32, #tpu.memory_space<vmem>>, vector<16xf32>,
      %add3A_534 = arith.constant 7 : i32
      %add3A_535 = arith.addi %add3A_159, %add3A_534 : i32
      %add3A_536 = arith.constant 8 : i32
      %add3A_537 = arith.addi %add3A_535, %add3A_536 : i32
      %lt3A_538 = arith.constant 3328 : i32
      %lt3A_539 = arith.cmpi slt, %add3A_537, %lt3A_538 : i32
      %convert_element_type3A_540 = arith.extui %lt3A_539 : i1 to i32
      %cond3A_541 = arith.constant 0 : i32
      %cond3A_542 = arith.cmpi ne, %convert_element_type3A_540, %cond3A_541 : i32
      scf.if %cond3A_542 {
        %add3A_543 = arith.constant 7 : i32
        %add3A_544 = arith.addi %add3A_159, %add3A_543 : i32
        %add3A_545 = arith.constant 8 : i32
        %add3A_546 = arith.addi %add3A_544, %add3A_545 : i32
        %get3A_547 = arith.index_cast %add3A_546 : i32 to index
        %get3A_548 = tpu.vector_load %arg7[%get3A_547] {strides = array<i32>} : memref<3344xi32, #tpu.memory_space<vmem>>, vector<16xi32>,
        %slice3A_549 = vector.extract_strided_slice %get3A_548 {offsets = [0], sizes = [1], strides = [1]} : vector<16xi32> to vector<1xi32>
        %squeeze3A_550 = vector.extract %slice3A_549[0] : i32 from vector<1xi32>
        %shift_right_logical3A_551 = arith.constant 7 : i32
        %shift_right_logical3A_552 = arith.shrui %squeeze3A_550, %shift_right_logical3A_551 : i32
        %mul3A_553 = arith.constant 128 : i32
        %mul3A_554 = arith.muli %shift_right_logical3A_552, %mul3A_553 : i32
        %multiple_of3A_555 = tpu.assume_multiple %mul3A_554, 128 : i32
        %dma_start3A_556 = arith.constant 0 : i32
        %dma_start3A_557 = arith.constant 0 : i32
        %dma_start3A_558 = tpu.memref_slice %arg2[%dma_start3A_556, %dma_start3A_557, %multiple_of3A_555] : memref<2x8x2600000xf32, #tpu.memory_space<hbm>> -> memref<2x8x128xf32, #tpu.memory_space<hbm>>
        %dma_start3A_559 = arith.constant 0 : i32
        %dma_start3A_560 = arith.constant 0 : i32
        %dma_start3A_561 = tpu.memref_slice %arg2[%dma_start3A_559, %dma_start3A_560, %multiple_of3A_555] : memref<2x8x2600000xf32, #tpu.memory_space<hbm>> -> memref<2x8x128xf32, #tpu.memory_space<hbm>>
        tpu.enqueue_dma source(%dma_start3A_561 : memref<2x8x128xf32, #tpu.memory_space<hbm>>) target(%arg15 : memref<2x8x128xf32, #tpu.memory_space<vmem>>) target_semaphore(%arg33 : memref<!tpu.dma_semaphore, #tpu.memory_space<semaphore_mem>>)
        %dma_start3A_562 = arith.constant 0 : i32
        %dma_start3A_563 = tpu.memref_slice %arg3[%dma_start3A_562, %multiple_of3A_555] : memref<1x2600000xf32, #tpu.memory_space<hbm>> -> memref<1x128xf32, #tpu.memory_space<hbm>>
        %dma_start3A_564 = arith.constant 0 : i32
        %dma_start3A_565 = tpu.memref_slice %arg3[%dma_start3A_564, %multiple_of3A_555] : memref<1x2600000xf32, #tpu.memory_space<hbm>> -> memref<1x128xf32, #tpu.memory_space<hbm>>
        tpu.enqueue_dma source(%dma_start3A_565 : memref<1x128xf32, #tpu.memory_space<hbm>>) target(%arg23 : memref<1x128xf32, #tpu.memory_space<vmem>>) target_semaphore(%arg33 : memref<!tpu.dma_semaphore, #tpu.memory_space<semaphore_mem>>)
      } else {
      }
    }
    %scan3A_152 = arith.constant 416 : i32
    %mul3A_153 = arith.constant 16 : i32
    %mul3A_154 = arith.muli %mul3A_2, %mul3A_153 : i32
    "tpu.region"() ({
      %run_scoped3A = tpu.sem_alloc : memref<!tpu.dma_semaphore, #tpu.memory_space<semaphore_mem>>
      %dma_start3A_155 = tpu.memref_slice %arg5[%mul3A_154] : memref<1703936xf32, #tpu.memory_space<hbm>> -> memref<53248xf32, #tpu.memory_space<hbm>>
      %dma_start3A_156 = tpu.memref_slice %arg5[%mul3A_154] : memref<1703936xf32, #tpu.memory_space<hbm>> -> memref<53248xf32, #tpu.memory_space<hbm>>
      tpu.enqueue_dma source(%arg24 : memref<53248xf32, #tpu.memory_space<vmem>>) target(%dma_start3A_156 : memref<53248xf32, #tpu.memory_space<hbm>>) target_semaphore(%run_scoped3A : memref<!tpu.dma_semaphore, #tpu.memory_space<semaphore_mem>>)
      %dma_wait3A = tpu.memref_slice %arg5[%mul3A_154] : memref<1703936xf32, #tpu.memory_space<hbm>> -> memref<53248xf32, #tpu.memory_space<hbm>>
      %dma_wait3A_157 = tpu.memref_slice %arg5[%mul3A_154] : memref<1703936xf32, #tpu.memory_space<hbm>> -> memref<53248xf32, #tpu.memory_space<hbm>>
      tpu.wait_dma2 semaphore(%run_scoped3A : memref<!tpu.dma_semaphore, #tpu.memory_space<semaphore_mem>>) src(%arg24 : memref<53248xf32, #tpu.memory_space<vmem>>) dst(%dma_wait3A_157 : memref<53248xf32, #tpu.memory_space<hbm>>)
      tpu.yield
    }) : () -> ()
    "tpu.region"() ({
      %run_scoped3A = tpu.sem_alloc : memref<!tpu.dma_semaphore, #tpu.memory_space<semaphore_mem>>
      %dma_start3A_155 = arith.constant 0 : i32
      %dma_start3A_156 = tpu.memref_slice %arg25[%dma_start3A_155] : memref<3344xf32, #tpu.memory_space<vmem>> -> memref<3328xf32, #tpu.memory_space<vmem>>
      %dma_start3A_157 = tpu.memref_slice %arg6[%mul3A_2] : memref<106496xf32, #tpu.memory_space<hbm>> -> memref<3328xf32, #tpu.memory_space<hbm>>
      %dma_start3A_158 = tpu.memref_slice %arg6[%mul3A_2] : memref<106496xf32, #tpu.memory_space<hbm>> -> memref<3328xf32, #tpu.memory_space<hbm>>
      %dma_start3A_159 = arith.constant 0 : i32
      %dma_start3A_160 = tpu.memref_slice %arg25[%dma_start3A_159] : memref<3344xf32, #tpu.memory_space<vmem>> -> memref<3328xf32, #tpu.memory_space<vmem>>
      tpu.enqueue_dma source(%dma_start3A_160 : memref<3328xf32, #tpu.memory_space<vmem>>) target(%dma_start3A_158 : memref<3328xf32, #tpu.memory_space<hbm>>) target_semaphore(%run_scoped3A : memref<!tpu.dma_semaphore, #tpu.memory_space<semaphore_mem>>)
      %dma_wait3A = arith.constant 0 : i32
      %dma_wait3A_161 = tpu.memref_slice %arg25[%dma_wait3A] : memref<3344xf32, #tpu.memory_space<vmem>> -> memref<3328xf32, #tpu.memory_space<vmem>>
      %dma_wait3A_162 = tpu.memref_slice %arg6[%mul3A_2] : memref<106496xf32, #tpu.memory_space<hbm>> -> memref<3328xf32, #tpu.memory_space<hbm>>
      %dma_wait3A_163 = tpu.memref_slice %arg6[%mul3A_2] : memref<106496xf32, #tpu.memory_space<hbm>> -> memref<3328xf32, #tpu.memory_space<hbm>>
      %dma_wait3A_164 = arith.constant 0 : i32
      %dma_wait3A_165 = tpu.memref_slice %arg25[%dma_wait3A_164] : memref<3344xf32, #tpu.memory_space<vmem>> -> memref<3328xf32, #tpu.memory_space<vmem>>
      tpu.wait_dma2 semaphore(%run_scoped3A : memref<!tpu.dma_semaphore, #tpu.memory_space<semaphore_mem>>) src(%dma_wait3A_165 : memref<3328xf32, #tpu.memory_space<vmem>>) dst(%dma_wait3A_163 : memref<3328xf32, #tpu.memory_space<hbm>>)
      tpu.yield
    }) : () -> ()
    return
  }
}

module attributes {stable_mosaic.version = 14 : i64} {
  func.func @body(%arg0: i32, %arg1: memref<512x416xf32, #tpu.memory_space<vmem>>, %arg2: memref<512x26xf32, #tpu.memory_space<vmem>>, %arg3: memref<416x416xbf16, #tpu.memory_space<vmem>>, %arg4: memref<1x1xf32, #tpu.memory_space<vmem>>, %arg5: memref<512x1xf32, #tpu.memory_space<vmem>>) attributes {dimension_semantics = [#tpu.dimension_semantics<arbitrary>], iteration_bounds = array<i64: 8>, scalar_prefetch = 0 : i64, scratch_operands = 0 : i64, tpu.core_type = #tpu.core_type<tc>, window_params = [{transform_indices = @transform_0, window_bounds = array<i64: 512, 416>}, {transform_indices = @transform_1, window_bounds = array<i64: 512, 26>}, {pipeline_mode = #tpu.pipeline_mode<synchronous>, transform_indices = @transform_2, window_bounds = array<i64: 416, 416>}, {pipeline_mode = #tpu.pipeline_mode<synchronous>, transform_indices = @transform_3, window_bounds = array<i64: 1, 1>}, {transform_indices = @transform_4, window_bounds = array<i64: 512, 1>}]} {
    %get3A = arith.constant 0 : index
    %get3A_0 = arith.constant 0 : index
    %get3A_1 = vector.load %arg1[%get3A, %get3A_0] : memref<512x416xf32, #tpu.memory_space<vmem>>, vector<512x416xf32>
    %convert_element_type3A = arith.truncf %get3A_1 : vector<512x416xf32> to vector<512x416xbf16>
    %get3A_2 = arith.constant 0 : index
    %get3A_3 = arith.constant 0 : index
    %get3A_4 = vector.load %arg3[%get3A_2, %get3A_3] : memref<416x416xbf16, #tpu.memory_space<vmem>>, vector<416x416xbf16>
    %dot_general3A = arith.constant dense<0.000000e+00> : vector<512x416xf32>
    %dot_general3A_5 = tpu.matmul %convert_element_type3A, %get3A_4, %dot_general3A {dimension_numbers = #tpu.dot_dimension_numbers<[1], [0], [0], [1], [0, 0, 1, 1], [], []>, transpose_lhs_hint = false} : vector<512x416xbf16>, vector<416x416xbf16>, vector<512x416xf32> -> vector<512x416xf32>
    %mul3A = arith.mulf %get3A_1, %dot_general3A_5 : vector<512x416xf32>
    %reduce_sum3A = arith.constant dense<0.000000e+00> : vector<512xf32>
    %reduce_sum3A_6 = vector.multi_reduction <add>, %mul3A, %reduce_sum3A [1] : vector<512x416xf32> to vector<512xf32>
    %broadcast_in_dim3A = vector.shape_cast %reduce_sum3A_6 : vector<512xf32> to vector<512x1xf32>
    %get3A_7 = arith.constant 0 : index
    %get3A_8 = arith.constant 0 : index
    %get3A_9 = vector.load %arg2[%get3A_7, %get3A_8] : memref<512x26xf32, #tpu.memory_space<vmem>>, vector<512x26xf32>
    %reduce_sum3A_10 = arith.constant dense<0.000000e+00> : vector<512xf32>
    %reduce_sum3A_11 = vector.multi_reduction <add>, %get3A_9, %reduce_sum3A_10 [1] : vector<512x26xf32> to vector<512xf32>
    %broadcast_in_dim3A_12 = vector.shape_cast %reduce_sum3A_11 : vector<512xf32> to vector<512x1xf32>
    %add3A = arith.addf %broadcast_in_dim3A, %broadcast_in_dim3A_12 : vector<512x1xf32>
    %get3A_13 = arith.constant 0 : index
    %get3A_14 = arith.constant 0 : index
    %get3A_15 = vector.load %arg4[%get3A_13, %get3A_14] : memref<1x1xf32, #tpu.memory_space<vmem>>, vector<1x1xf32>
    %add3A_16 = vector.broadcast %get3A_15 : vector<1x1xf32> to vector<512x1xf32>
    %add3A_17 = arith.addf %add3A, %add3A_16 : vector<512x1xf32>
    %swap3A = arith.constant 0 : index
    %swap3A_18 = arith.constant 0 : index
    %swap3A_19 = vector.load %arg5[%swap3A, %swap3A_18] : memref<512x1xf32, #tpu.memory_space<vmem>>, vector<512x1xf32>
    tpu.vector_store %arg5[%swap3A, %swap3A_18], %add3A_17 {strides = array<i32>} : memref<512x1xf32, #tpu.memory_space<vmem>>, vector<512x1xf32>,
    return
  }
  func.func @transform_0(%arg0: i32) -> (i32, i32) {
    %c0_i32 = arith.constant 0 : i32
    %c0_i32_0 = arith.constant 0 : i32
    return %arg0, %c0_i32 : i32, i32
  }
  func.func @transform_1(%arg0: i32) -> (i32, i32) {
    %c0_i32 = arith.constant 0 : i32
    %c0_i32_0 = arith.constant 0 : i32
    return %arg0, %c0_i32 : i32, i32
  }
  func.func @transform_2(%arg0: i32) -> (i32, i32) {
    %c0_i32 = arith.constant 0 : i32
    %c0_i32_0 = arith.constant 0 : i32
    %c0_i32_1 = arith.constant 0 : i32
    return %c0_i32, %c0_i32_0 : i32, i32
  }
  func.func @transform_3(%arg0: i32) -> (i32, i32) {
    %c0_i32 = arith.constant 0 : i32
    %c0_i32_0 = arith.constant 0 : i32
    %c0_i32_1 = arith.constant 0 : i32
    return %c0_i32, %c0_i32_0 : i32, i32
  }
  func.func @transform_4(%arg0: i32) -> (i32, i32) {
    %c0_i32 = arith.constant 0 : i32
    %c0_i32_0 = arith.constant 0 : i32
    return %arg0, %c0_i32 : i32, i32
  }
}

</mosaic_0001>

<sc_bundles>
// kernel: kernel.4.cloned.1.call-start
scs
__scs_entry_jumppad:
0x0: {  	(pc) =	sbr.rel $0x88, $3  }
0x1: {  	(tag) =	ssettag $0x0;
	lr =	simm.s32 $0x1  }
0x2: {  	[smem:$0x3F9C] =	sst lr;
	_ =	strace $0xD0000000  }
0x3: {  	_ = 	snop  }
0x4: {  	_ = 	snop  }
0x5: {  	_ = 	snop  }
0x6: {  	_ = 	snop  }
0x7: {  	_ = 	snop  }
__scs_overlays_trampoline_lowered:
0x8: {  	[smem:$0x3FAB] =	sst s0  }
0x9: {  	[smem:$0x3FAC] =	sst s1  }
0xa: {  	[smem:$0x3FAD] =	sst s2  }
0xb: {  	[smem:$0x3FAE] =	sst s3  }
0xc: {  	[smem:$0x3FAF] =	sst s4  }
0xd: {  	[smem:$0x3FB0] =	sst s5  }
0xe: {  	[smem:$0x3FB1] =	sst s6  }
0xf: {  	[smem:$0x3FB2] =	sst s7  }
0x10: {  	[smem:$0x3FB3] =	sst s8  }
0x11: {  	[smem:$0x3FB4] =	sst s9;
	s0 =	simm.s32 @!p0 $0x0  }
0x12: {  	s1 =	sld [smem:$0x3F9A];
	s0 =	simm.s32 @p0 $0x1  }
0x13: {  	[smem:$0x3FB5] =	sst s0;
	s0 =	simm.s32 @!p1 $0x0  }
0x14: {  	s2 =	sld [smem:$0x3F99];
	s0 =	simm.s32 @p1 $0x1  }
0x15: {  	[smem:$0x3FB6] =	sst s0;
	s0 =	simm.s32 @!p2 $0x0  }
0x16: {  	s3 =	sld [smem:$0x3FDB];
	s0 =	simm.s32 @p2 $0x1  }
0x17: {  	s4 =	simm.s32 $0x1BF5;
	[smem:$0x3FB8] =	sst s0  }
0x18: {  	s0 =	sld [smem:$0x3F9B];
	_ =	swait.ge [sflag:s4], $0x0  }
0x19: {  	s7 =	sld [smem:$0x3F9C]  }
0x1a: {  	s8 =	sadd.s32 $0xFFFFE003, lr  }
0x1b: {  	s9 =	sadd.s32 $0xFFFFFEF7, lr;
	s5 =	simm.s32 $0xFFFFFFFF;
	p2 =	slt.u32 s8, $0xFFFFF086  }
0x1c: {  	p1 =	slt.u32 s9, $0xF7A;
	s5 =	simm.s32 @!p2 $0x0  }
0x1d: {  	s5 =	simm.s32 @p1 $0x1;
	p0 =	seq.s32 s7, s2  }
0x1e: {  	s7 =	smul.u32 @!p0 $0xF7A, s2;
	p2 =	seq.s32 @!p0 s5, $0x0  }
0x1f: {  	s9 =	smul.u32 $0xF7A, s1;
	s8 =	simm.s32 @!p0 $0x1BF5;
	p2 =	por !p2, p0  }
0x20: {  	[sflag:s8] =	ssyncset.s32 @!p0 $0xFFFFF086;
	s6 =	sadd.s32 @!p0 s3, s7;
	s7 =	simm.s32 @!p0 $0x108  }
0x21: {  	s3 =	sadd.s32 s3, s9;
	s6 =	sadd.s32 @!p0 $0x88, s6;
	s7 =	simm.s32 @p2 $0x1082  }
0x22: {  	[simem:s7], [sflag:s8] =	dma.local @!p0 [hbm:s6], $0xF7A  }
0x23: {  	s9 =	sor.u32 $0xD0000000, s2;
	s6 =	simm.s32 $0x108;
	_ =	swait.ge @!p0 [sflag:s8], $0x0  }
0x24: {  	s3 =	sadd.s32 $0x88, s3;
	s6 =	simm.s32 @!p1 $0x1082;
	[sflag:s4] =	ssyncset.s32 $0xFFFFF086  }
0x25: {  	[simem:s6], [sflag:s4] =	dma.local [hbm:s3], $0xF7A  }
0x26: {  	[smem:$0x3F9C] =	sst s1;
	(tag) =	ssettag s2;
	_ =	strace s9  }
0x27: {  	s1 =	sld [smem:$0x3FAC]  }
0x28: {  	s2 =	sld [smem:$0x3FAD]  }
0x29: {  	s4 =	sld [smem:$0x3FAF]  }
0x2a: {  	p0 =	seq.s32 s5, $0x0;
	s5 =	sld [smem:$0x3FB0]  }
0x2b: {  	s6 =	sld [smem:$0x3FB1]  }
0x2c: {  	s7 =	sld [smem:$0x3FB2]  }
0x2d: {  	s3 =	simm.s32 $0x108;
	s8 =	sld [smem:$0x3FB3]  }
0x2e: {  	s3 =	simm.s32 @!p0 $0x1082;
	s9 =	sld [smem:$0x3FB4]  }
0x2f: {  	lr =	sadd.s32 s0, s3;
	s0 =	sld [smem:$0x3FAB]  }
0x30: {  	s3 =	sld [smem:$0x3FAE]  }
0x31: {  	[smem:$0x3FB7] =	sst s10  }
0x32: {  	s10 =	sld [smem:$0x3FB5];
	_ =	sdelay $0x3  }
0x33: {  	p0 =	seq.s32 s10, $0x1;
	s10 =	sld [smem:$0x3FB7];
	_ =	sdelay $0x3  }
0x34: {  	[smem:$0x3FB7] =	sst s10  }
0x35: {  	s10 =	sld [smem:$0x3FB6];
	_ =	sdelay $0x3  }
0x36: {  	p1 =	seq.s32 s10, $0x1;
	s10 =	sld [smem:$0x3FB7];
	_ =	sdelay $0x3  }
0x37: {  	[smem:$0x3FB7] =	sst s10  }
0x38: {  	s10 =	sld [smem:$0x3FB8]  }
0x39: {  	_ = 	snop;
	(pc) =	sbr.ind lr, $3  }
0x3a: {  	_ = 	snop  }
0x3b: {  	_ = 	snop  }
0x3c: {  	p2 =	seq.s32 s10, $0x1;
	s10 =	sld [smem:$0x3FB7]  }
0x3d: {  	_ =	shalt  }
0x3e: {  	_ =	shalt  }
0x3f: {  	_ =	shalt  }
0x40: {  	_ =	shalt  }
0x41: {  	_ =	shalt  }
0x42: {  	_ =	shalt  }
0x43: {  	_ =	shalt  }
0x44: {  	_ =	shalt  }
0x45: {  	_ =	shalt  }
0x46: {  	_ =	shalt  }
0x47: {  	_ =	shalt  }
0x48: {  	_ =	shalt  }
0x49: {  	_ =	shalt  }
0x4a: {  	_ =	shalt  }
0x4b: {  	_ =	shalt  }
0x4c: {  	_ =	shalt  }
0x4d: {  	_ =	shalt  }
0x4e: {  	_ =	shalt  }
0x4f: {  	_ =	shalt  }
0x50: {  	_ =	shalt  }
0x51: {  	_ =	shalt  }
0x52: {  	_ =	shalt  }
0x53: {  	_ =	shalt  }
0x54: {  	_ =	shalt  }
0x55: {  	_ =	shalt  }
0x56: {  	_ =	shalt  }
0x57: {  	_ =	shalt  }
0x58: {  	_ =	shalt  }
0x59: {  	_ =	shalt  }
0x5a: {  	_ =	shalt  }
0x5b: {  	_ =	shalt  }
0x5c: {  	_ =	shalt  }
0x5d: {  	_ =	shalt  }
0x5e: {  	_ =	shalt  }
0x5f: {  	_ =	shalt  }
0x60: {  	_ =	shalt  }
0x61: {  	_ =	shalt  }
0x62: {  	_ =	shalt  }
0x63: {  	_ =	shalt  }
0x64: {  	_ =	shalt  }
0x65: {  	_ =	shalt  }
0x66: {  	_ =	shalt  }
0x67: {  	_ =	shalt  }
0x68: {  	_ =	shalt  }
0x69: {  	_ =	shalt  }
0x6a: {  	_ =	shalt  }
0x6b: {  	_ =	shalt  }
0x6c: {  	_ =	shalt  }
0x6d: {  	_ =	shalt  }
0x6e: {  	_ =	shalt  }
0x6f: {  	_ =	shalt  }
0x70: {  	_ =	shalt  }
0x71: {  	_ =	shalt  }
0x72: {  	_ =	shalt  }
0x73: {  	_ =	shalt  }
0x74: {  	_ =	shalt  }
0x75: {  	_ =	shalt  }
0x76: {  	_ =	shalt  }
0x77: {  	_ =	shalt  }
0x78: {  	_ =	shalt  }
0x79: {  	_ =	shalt  }
0x7a: {  	_ =	shalt  }
0x7b: {  	_ =	shalt  }
0x7c: {  	_ =	shalt  }
0x7d: {  	_ =	shalt  }
0x7e: {  	_ =	shalt  }
0x7f: {  	_ =	shalt  }
0x80: {  	_ =	shalt  }
0x81: {  	_ =	shalt  }
0x82: {  	_ =	shalt  }
0x83: {  	_ =	shalt  }
0x84: {  	_ =	shalt  }
0x85: {  	_ =	shalt  }
0x86: {  	_ =	shalt  }
0x87: {  	_ =	shalt  }
.Lfunc_end0:
.L_simem_size_0:
called_computation_lowered:
.L_overlay_start_0:
0x88: {  	s2 =	sld [smem:$0x3FD9]  }
0x89: {  	s3 =	sld [smem:$0x3FFE];
	_ =	sdelay $0x1  }
0x8a: {  	s1 =	srdreg.scid  }
0x8b: {  	s0 =	sand.u32 $0x1, s1  }
0x8c: {  	s17 =	sshll.u32 s0, $0xA;
	s2 =	sadd.s32 s3, s2  }
0x8d: {  	s2 =	sadd.s32 s2, s17  }
0x8e: {  	[smem:$0x3FC3] =	sst s2  }
0x8f: {  	_ = 	snop  }
0x90: {  	s2 =	sld [smem:$0x3FC8]  }
0x91: {  	s18 =	sld [smem:$0x3FC6];
	(tm) =	ssettm $0x1  }
0x92: {  	s4 =	sld [smem:$0x3FFB];
	_ =	sdelay $0x3  }
0x93: {  	_ =	strace s4  }
0x94: {  	s4 =	sld [smem:$0x3FFC];
	_ =	sdelay $0x3  }
0x95: {  	_ =	strace s4  }
0x96: {  	s4 =	sld [smem:$0x3FFD];
	_ =	sdelay $0x3  }
0x97: {  	_ =	strace s4  }
0x98: {  	_ =	strace $0x8FFFFFFF  }
0x99: {  	s19 =	sld [smem:$0x3FDB];
	_ =	sdelay $0x1  }
0x9a: {  	s5 =	simm.s32 $_scs_section_size  }
0x9b: {  	s6 =	simm.s32 $_size__tile_overlayer_lowered;
	s7 =	simm.s32 $_tile_overlayer_lowered  }
0x9c: {  	s22 =	simm.s32 $0x1BFF;
	s21 =	sshll.u32 s7, $0x1;
	s4 =	sadd.s32 s5, s19  }
0x9d: {  	s8 =	simm.s32 $0x0;
	s20 =	sshll.u32 s6, $0x1;
	s6 =	sadd.s32 s21, s4  }
0x9e: {  	[timem:s8], [sflag:s22] =	dma.local [hbm:s6], s20  }
0x9f: {  	_ =	swait.ge [sflag:s22], s20  }
0xa0: {  	s5 =	ssub.s32 $0x0, s20;
	[sflag:s22] =	ssyncset.done $0x0  }
0xa1: {  	[sflag:s22] =	ssyncadd.s32 s5;
	_ =	sdelay $0x1  }
0xa2: {  	s23 =	simm.s32 $0x1B8B  }
0xa3: {  	_ =	swait.ge [sflag:s23], $0x1  }
0xa4: {  	[sflag:s23] =	ssyncset.done $0x0  }
0xa5: {  	s25 =	simm.s32 $0x1B8E;
	s24 =	sld [smem:$0x3FFE];
	[sflag:s23] =	ssyncadd.s32 $0xFFFFFFFF  }
0xa6: {  	s26 =	simm.s32 $execute0_lowered;
	[smem:$0x3FD2] =	sst s25  }
0xa7: {  	s6 =	sshll.u32 s26, $0x1;
	_ =	strace $0x80000046;
	[dreg:$0x1] =	wrdreg $0xFFFFFFFF  }
0xa8: {  	s28 =	simm.s32 $_size_execute0_lowered;
	s4 =	sadd.s32 s4, s6;
	[dreg:$0x0] =	wrdreg $0x0  }
0xa9: {  	s6 =	sshll.u32 s28, $0x1;
	[dreg:$0x2] =	wrdreg s4  }
0xaa: {  	[dreg:$0x3] =	wrdreg s6  }
0xab: {  	[dreg:$0x4] =	wrdreg $0xC0  }
0xac: {  	_ =	task [dreg:s8], $0x5FFFF  }
0xad: {  	[dreg:$0x1] =	wrdreg $0xFFFFFFFF  }
0xae: {  	[dreg:$0x0] =	wrdreg $0x60  }
0xaf: {  	[dreg:$0x2] =	wrdreg s18  }
0xb0: {  	[dreg:$0x3] =	wrdreg s2  }
0xb1: {  	[dreg:$0x4] =	wrdreg s24  }
0xb2: {  	[dreg:$0x5] =	wrdreg $0x9  }
0xb3: {  	_ =	task.clear_ibuf [dreg:s8], $0x6FFFF;
	_ =	strace $0x90000046  }
0xb4: {  	s29 =	simm.s32 $0x9;
	_ =	strace $0x80000048  }
0xb5: {  	_ =	swait.ge [sflag:s29], $0x1  }
0xb6: {  	[sflag:s29] =	ssyncadd.s32 $0xFFFFFFFF  }
0xb7: {  	_ =	strace $0x90000048  }
0xb8: {  	_ =	sfence  }
0xb9: {  	s30 =	sld [smem:$0x0];
	_ =	sdelay $0x2  }
0xba: {  	s31 =	sshll.u32 s1, $0xD;
	s1 =	sshrl.u32 s1, $0x2  }
0xbb: {  	s3 =	sand.u32 $0x4000, s31;
	s1 =	sadd.s32 s1, s30  }
0xbc: {  	s0 =	sor.u32 s3, s0;
	s1 =	sshll.u32 s1, $0x11  }
0xbd: {  	s0 =	sor.u32 s1, s0  }
0xbe: {  	s0 =	sadd.s32 $0x8F2B, s0  }
0xbf: {  	[sflag:s0] =	ssyncadd.remote.s32 $0x1  }
0xc0: {  	_ =	sfence.sel $0xFFFF  }
0xc1: {  	[dreg:$0x0] =	wrdreg $0xFFFFFFFF;
	(pc) =	sbr.abs _section_cstart, $3  }
0xc2: {  	[dreg:$0x1] =	wrdreg $0xFFFFFFFF  }
0xc3: {  	_ =	task.clear_ibuf [dreg:s8], $0x2FFFF;
	_ =	strace $0x9FFFFFFF  }
0xc4: {  	(tm) =	ssettm $0x7FFFFFFF  }
0xc5: {  	_ =	shalt  }
tec
execute0_lowered:
.L_overlay_start_1:
0x0: {  	(tag) =	ssettag $0x1  }
0x1: {  	s1 =	rddreg [dreg:$0x0]  }
0x2: {  	s0 =	srdreg.scid;
	s3 =	rddreg [dreg:$0x1]  }
0x3: {  	s2 =	stileid.u32;
	s5 =	rddreg [dreg:$0x2]  }
0x4: {  	s4 =	simm.s32 $0x0;
	s9 =	simm.s32 $0x9;
	s10 =	simm.s32 $0x400  }
0x5: {  	s11 =	simm.s32 $0x13D6400;
	s20 =	simm.s32 $0x2D80;
	s21 =	simm.s32 $0x4F80  }
0x6: {  	s22 =	simm.s32 $0x3580;
	s23 =	simm.s32 $0x5000;
	s24 =	simm.s32 $0x3D80  }
0x7: {  	s28 =	simm.s32 $0x5100;
	s0 =	sand.u32 $0x1, s0;
	s2 =	sshll.u32 s2, $0x1  }
0x8: {  	s29 =	simm.s32 $0x1;
	s30 =	simm.s32 $0x2;
	s2 =	sor.u32 s0, s2  }
0x9: {  	s31 =	simm.s32 $0x3;
	s0 =	ssub.s32 $0x2, s0;
	s6 =	smul.u32 $0x1A0, s2  }
0xa: {  	[smem:$0x7FF] =	sst s4;
	s2 =	smul.u32 $0x1A00, s2;
	s7 =	sshrl.u32 s0, $0x1  }
0xb: {  	s12 =	simm.s32 $0x0;
	_ =	strace $0x80000047;
	s0 =	ssub.s32 s0, s7  }
0xc: {  	s6 =	sadd.s32 s6, s5;
	s2 =	sadd.s32 s2, s5;
	s0 =	smax.u32 s0, $0x1  }
.Ltmp0:
0xd: {  	s25 =	sadd.s32 $0x600, s6;
	[dreg:$0x7] =	wrdreg s0;
	(pc) =	sbr.rel .LBB2_1-.Ltmp0, $4  }
0xe: {  	s7 =	simm.s32 $0x8;
	s2 =	sadd.s32 $0x3A00, s2;
	[dreg:$0x4] =	wrdreg s25  }
0xf: {  	s5 =	simm.s32 $0x6;
	s26 =	sadd.s32 $0x37A00, s6;
	[dreg:$0x5] =	wrdreg s2  }
0x10: {  	v0 =	vlaneseq.u32;
	s0 =	simm.s32 $0x5;
	s6 =	simm.s32 $0x7;
	[dreg:$0x6] =	wrdreg s26  }
0x11: {  	v0 =	vmul.u32 $0x80, v0;
	s25 =	simm.s32 $0x5080;
	s26 =	simm.s32 $0x4580;
	s2 =	simm.s32 $0x4  }
.LBB2_4:
0x12: {  	s8 =	rddreg [dreg:$0x5];
	s9 =	simm.s32 $0x5180  }
0x13: {  	[hbm4b:s8+s4] =	stream.linear.scatter [tilespmem:s9], [sflag:$0x9], $0xD000, $0x38;
	[tilespmem:$0x12F00] =	vst v63  }
0x14: {  	s9 =	simm.s32 $0x9  }
0x15: {  	_ =	swait.ge [sflag:s9], $0xD000  }
0x16: {  	[sflag:s9] =	ssyncset.done $0x0  }
0x17: {  	s12 =	simm.s32 $0x12180;
	s17 =	rddreg [dreg:$0x6];
	[sflag:s9] =	ssyncadd.s32 $0xFFFF3000  }
0x18: {  	[hbm4b:s17+s4] =	stream.linear.scatter [tilespmem:s12], [sflag:$0x9], $0xD00, $0x38;
	[tilespmem:$0x12F00] =	vst v63  }
0x19: {  	_ =	swait.ge [sflag:s9], $0xD00  }
0x1a: {  	s18 =	rddreg [dreg:$0x8]  }
0x1b: {  	s19 =	rddreg [dreg:$0x7];
	s12 =	sadd.s32 $0x1, s18  }
0x1c: {  	p0 =	sne.s32 s12, s19  }
.Ltmp1:
0x1d: {  	_ = 	snop;
	(pc) =	sbr.rel @!p0 .LBB2_5-.Ltmp1, $3  }
0x1e: {  	_ =	sdelay $0x1  }
0x1f: {  	[sflag:s9] =	ssyncset.done $0x0  }
0x20: {  	[sflag:s9] =	ssyncadd.s32 $0xFFFFF300  }
.LBB2_1:
0x21: {  	[dreg:$0x8] =	wrdreg s12  }
0x22: {  	s8 =	rddreg [dreg:$0x4]  }
0x23: {  	[tilespmem:s4], [sflag:$0x9] =	stream.linear.gather [hbm4b:s8+s4], $0xD00, $0x38;
	[tilespmem:$0x12F00] =	vst v63  }
0x24: {  	_ =	swait.ge [sflag:s9], $0xD00  }
0x25: {  	[sflag:s9] =	ssyncset.done $0x0  }
0x26: {  	[sflag:s9] =	ssyncadd.s32 $0xFFFFF300  }
0x27: {  	v1 =	vld [tilespmem:$0x0];
	_ =	sdelay $0x4  }
0x28: {  	(v2sf) =	vpush v1, $0x0;
	_ =	sdelay $0xe  }
0x29: {  	s19 =	spop (v2sf)  }
0x2a: {  	s12 =	sand.u32 $0x1FFFFF80, s19;
	s8 =	sshrl.u32 s19, $0x3  }
0x2b: {  	s13 =	simm.s32 $0xD80;
	s9 =	sadd.s32 s1, s12;
	s8 =	sand.u32 $0x1FFFFFF0, s8  }
0x2c: {  	[tilespmem:s13], [sflag:$0x1] =	stream.strided.gather [hbm4b:s9+s10], $0x800, s11, s10, $0x38;
	[tilespmem:$0x12F00] =	vst v63  }
0x2d: {  	s14 =	simm.s32 $0x4D80;
	s8 =	sadd.s32 s3, s8  }
0x2e: {  	[tilespmem:s14], [sflag:$0x1] =	stream.linear.gather [hbm4b:s8+s4], $0x80, $0x38;
	[tilespmem:$0x12F00] =	vst v63  }
0x2f: {  	v1 =	vld [tilespmem:$0x1];
	_ =	sdelay $0x4  }
0x30: {  	(v2sf) =	vpush v1, $0x0;
	_ =	sdelay $0xe  }
0x31: {  	s15 =	spop (v2sf)  }
0x32: {  	s16 =	sand.u32 $0x1FFFFF80, s15;
	s8 =	sshrl.u32 s15, $0x3  }
0x33: {  	s17 =	simm.s32 $0x1580;
	s9 =	sadd.s32 s1, s16;
	s8 =	sand.u32 $0x1FFFFFF0, s8  }
0x34: {  	[tilespmem:s17], [sflag:$0x2] =	stream.strided.gather [hbm4b:s9+s10], $0x800, s11, s10, $0x38;
	[tilespmem:$0x12F00] =	vst v63  }
0x35: {  	s18 =	simm.s32 $0x4E00;
	s8 =	sadd.s32 s3, s8  }
0x36: {  	[tilespmem:s18], [sflag:$0x2] =	stream.linear.gather [hbm4b:s8+s4], $0x80, $0x38;
	[tilespmem:$0x12F00] =	vst v63  }
0x37: {  	v1 =	vld [tilespmem:$0x2];
	_ =	sdelay $0x4  }
0x38: {  	(v2sf) =	vpush v1, $0x0;
	_ =	sdelay $0xe  }
0x39: {  	s19 =	spop (v2sf)  }
0x3a: {  	s13 =	sand.u32 $0x1FFFFF80, s19;
	s8 =	sshrl.u32 s19, $0x3  }
0x3b: {  	s14 =	simm.s32 $0x1D80;
	s9 =	sadd.s32 s1, s13;
	s8 =	sand.u32 $0x1FFFFFF0, s8  }
0x3c: {  	[tilespmem:s14], [sflag:$0x3] =	stream.strided.gather [hbm4b:s9+s10], $0x800, s11, s10, $0x38;
	[tilespmem:$0x12F00] =	vst v63  }
0x3d: {  	s15 =	simm.s32 $0x4E80;
	s8 =	sadd.s32 s3, s8  }
0x3e: {  	[tilespmem:s15], [sflag:$0x3] =	stream.linear.gather [hbm4b:s8+s4], $0x80, $0x38;
	[tilespmem:$0x12F00] =	vst v63  }
0x3f: {  	v1 =	vld [tilespmem:$0x3];
	_ =	sdelay $0x4  }
0x40: {  	(v2sf) =	vpush v1, $0x0;
	_ =	sdelay $0xe  }
0x41: {  	s16 =	spop (v2sf)  }
0x42: {  	s17 =	sand.u32 $0x1FFFFF80, s16;
	s8 =	sshrl.u32 s16, $0x3  }
0x43: {  	s18 =	simm.s32 $0x2580;
	s9 =	sadd.s32 s1, s17;
	s8 =	sand.u32 $0x1FFFFFF0, s8  }
0x44: {  	[tilespmem:s18], [sflag:$0x4] =	stream.strided.gather [hbm4b:s9+s10], $0x800, s11, s10, $0x38;
	[tilespmem:$0x12F00] =	vst v63  }
0x45: {  	s19 =	simm.s32 $0x4F00;
	s8 =	sadd.s32 s3, s8  }
0x46: {  	[tilespmem:s19], [sflag:$0x4] =	stream.linear.gather [hbm4b:s8+s4], $0x80, $0x38;
	[tilespmem:$0x12F00] =	vst v63  }
0x47: {  	v1 =	vld [tilespmem:$0x4];
	_ =	sdelay $0x4  }
0x48: {  	(v2sf) =	vpush v1, $0x0;
	_ =	sdelay $0xe  }
0x49: {  	s12 =	spop (v2sf)  }
0x4a: {  	s13 =	sand.u32 $0x1FFFFF80, s12;
	s8 =	sshrl.u32 s12, $0x3  }
0x4b: {  	s9 =	sadd.s32 s1, s13;
	s8 =	sand.u32 $0x1FFFFFF0, s8  }
0x4c: {  	[tilespmem:s20], [sflag:$0x5] =	stream.strided.gather [hbm4b:s9+s10], $0x800, s11, s10, $0x38;
	[tilespmem:$0x12F00] =	vst v63  }
0x4d: {  	s8 =	sadd.s32 s3, s8  }
0x4e: {  	[tilespmem:s21], [sflag:$0x5] =	stream.linear.gather [hbm4b:s8+s4], $0x80, $0x38;
	[tilespmem:$0x12F00] =	vst v63  }
0x4f: {  	v1 =	vld [tilespmem:$0x5];
	_ =	sdelay $0x4  }
0x50: {  	(v2sf) =	vpush v1, $0x0;
	_ =	sdelay $0xe  }
0x51: {  	s14 =	spop (v2sf)  }
0x52: {  	s15 =	sand.u32 $0x1FFFFF80, s14;
	s8 =	sshrl.u32 s14, $0x3  }
0x53: {  	s9 =	sadd.s32 s1, s15;
	s8 =	sand.u32 $0x1FFFFFF0, s8  }
0x54: {  	[tilespmem:s22], [sflag:$0x6] =	stream.strided.gather [hbm4b:s9+s10], $0x800, s11, s10, $0x38;
	[tilespmem:$0x12F00] =	vst v63  }
0x55: {  	s8 =	sadd.s32 s3, s8  }
0x56: {  	[tilespmem:s23], [sflag:$0x6] =	stream.linear.gather [hbm4b:s8+s4], $0x80, $0x38;
	[tilespmem:$0x12F00] =	vst v63  }
0x57: {  	v1 =	vld [tilespmem:$0x6];
	_ =	sdelay $0x4  }
0x58: {  	(v2sf) =	vpush v1, $0x0;
	_ =	sdelay $0xe  }
0x59: {  	s16 =	spop (v2sf)  }
0x5a: {  	s17 =	sand.u32 $0x1FFFFF80, s16;
	s8 =	sshrl.u32 s16, $0x3  }
0x5b: {  	s9 =	sadd.s32 s1, s17;
	s8 =	sand.u32 $0x1FFFFFF0, s8  }
0x5c: {  	[tilespmem:s24], [sflag:$0x7] =	stream.strided.gather [hbm4b:s9+s10], $0x800, s11, s10, $0x38;
	[tilespmem:$0x12F00] =	vst v63  }
0x5d: {  	s8 =	sadd.s32 s3, s8  }
0x5e: {  	[tilespmem:s25], [sflag:$0x7] =	stream.linear.gather [hbm4b:s8+s4], $0x80, $0x38;
	[tilespmem:$0x12F00] =	vst v63  }
0x5f: {  	v1 =	vld [tilespmem:$0x7];
	_ =	sdelay $0x4  }
0x60: {  	(v2sf) =	vpush v1, $0x0;
	_ =	sdelay $0xe  }
0x61: {  	s18 =	spop (v2sf)  }
0x62: {  	s19 =	sand.u32 $0x1FFFFF80, s18;
	s8 =	sshrl.u32 s18, $0x3  }
0x63: {  	s9 =	sadd.s32 s1, s19;
	s8 =	sand.u32 $0x1FFFFFF0, s8  }
0x64: {  	[tilespmem:s26], [sflag:$0x8] =	stream.strided.gather [hbm4b:s9+s10], $0x800, s11, s10, $0x38;
	[tilespmem:$0x12F00] =	vst v63  }
0x65: {  	s8 =	sadd.s32 s3, s8  }
0x66: {  	[tilespmem:s28], [sflag:$0x8] =	stream.linear.gather [hbm4b:s8+s4], $0x80, $0x38;
	[tilespmem:$0x12F00] =	vst v63  }
0x67: {  	s9 =	simm.s32 $0x51C0;
	s8 =	simm.s32 $0x0  }
.LBB2_2:
0x68: {  	_ =	swait.ge [sflag:s29], $0x800  }
0x69: {  	[sflag:s29] =	ssyncset.done $0x0  }
0x6a: {  	[sflag:s29] =	ssyncadd.s32 $0xFFFFF800  }
0x6b: {  	_ =	swait.ge [sflag:s29], $0x80  }
0x6c: {  	[sflag:s29] =	ssyncset.done $0x0  }
0x6d: {  	s12 =	sshra.s32 s8, $0x2;
	[sflag:s29] =	ssyncadd.s32 $0xFFFFFF80  }
0x6e: {  	v1 =	vld [tilespmem:s12+$0x0];
	_ =	sdelay $0x4  }
0x6f: {  	(v2sf) =	vpush v1, $0x0;
	_ =	sdelay $0xe  }
0x70: {  	s13 =	spop (v2sf)  }
0x71: {  	s13 =	sand.u32 $0x7F, s13  }
0x72: {  	v1 =	vor.u32 s13, v0;
	_ =	sdelay $0x3  }
0x73: {  	s14 =	simm.s32 $0xD80  }
0x74: {  	v1 =	vld.idx.msk [tilespmem:v1+s14+$0x0], $0xffff  }
0x75: {  	v2 =	vmov s13;
	_ =	sdelay $0x3  }
0x76: {  	s17 =	simm.s32 $0x4D80;
	[tilespmem:s9+$0xFFFFFFC0] =	vst v1  }
0x77: {  	v1 =	vld.idx.msk [tilespmem:v2+s17+$0x0], $0xffff;
	_ =	sdelay $0x3  }
0x78: {  	p0 =	seq.s32 s8, $0x33E0  }
0x79: {  	s13 =	sshra.s32 @!p0 s8, $0x2;
	[tilespmem:s12+$0x12180] =	vst v1  }
0x7a: {  	v1 =	vld @!p0 [tilespmem:s13+$0x8];
	_ =	sdelay $0x4  }
0x7b: {  	(v2sf) =	vpush @!p0 v1, $0x0;
	_ =	sdelay $0xe  }
0x7c: {  	s15 =	simm.s32 @!p0 $0x13D6400;
	s16 =	spop @!p0 (v2sf)  }
0x7d: {  	s18 =	simm.s32 @!p0 $0xD80;
	s14 =	sand.u32 @!p0 $0x1FFFFF80, s16;
	s16 =	sshrl.u32 @!p0 s16, $0x3  }
0x7e: {  	s17 =	sadd.s32 @!p0 s1, s14;
	s14 =	simm.s32 @!p0 $0x400;
	s16 =	sand.u32 @!p0 $0x1FFFFFF0, s16  }
0x7f: {  	[tilespmem:s18], [sflag:$0x1] =	stream.strided.gather @!p0 [hbm4b:s17+s14], $0x800, s15, s14, $0x38;
	[tilespmem:$0x12F00] =	vst v63  }
0x80: {  	s17 =	sadd.s32 @!p0 s3, s16;
	s16 =	simm.s32 @!p0 $0x0;
	s18 =	simm.s32 @!p0 $0x4D80  }
0x81: {  	[tilespmem:s18], [sflag:$0x1] =	stream.linear.gather @!p0 [hbm4b:s17+s16], $0x80, $0x38;
	[tilespmem:$0x12F00] =	vst v63  }
0x82: {  	_ =	swait.ge [sflag:s30], $0x800  }
0x83: {  	[sflag:s30] =	ssyncset.done $0x0  }
0x84: {  	[sflag:s30] =	ssyncadd.s32 $0xFFFFF800  }
0x85: {  	_ =	swait.ge [sflag:s30], $0x80  }
0x86: {  	[sflag:s30] =	ssyncset.done $0x0  }
0x87: {  	[sflag:s30] =	ssyncadd.s32 $0xFFFFFF80  }
0x88: {  	v1 =	vld [tilespmem:s12+$0x1];
	_ =	sdelay $0x4  }
0x89: {  	(v2sf) =	vpush v1, $0x0;
	_ =	sdelay $0xe  }
0x8a: {  	s18 =	spop (v2sf)  }
0x8b: {  	s17 =	sand.u32 $0x7F, s18  }
0x8c: {  	v1 =	vor.u32 s17, v0;
	_ =	sdelay $0x3  }
0x8d: {  	s19 =	simm.s32 $0x1580  }
0x8e: {  	v1 =	vld.idx.msk [tilespmem:v1+s19+$0x0], $0xffff  }
0x8f: {  	v2 =	vmov s17;
	_ =	sdelay $0x3  }
0x90: {  	s19 =	simm.s32 $0x4E00;
	[tilespmem:s9+$0xFFFFFFD0] =	vst v1  }
0x91: {  	v1 =	vld.idx.msk [tilespmem:v2+s19+$0x0], $0xffff;
	_ =	sdelay $0x4  }
0x92: {  	[tilespmem:s12+$0x12181] =	vst v1  }
0x93: {  	v1 =	vld @!p0 [tilespmem:s13+$0x9];
	_ =	sdelay $0x4  }
0x94: {  	(v2sf) =	vpush @!p0 v1, $0x0;
	_ =	sdelay $0xe  }
0x95: {  	s17 =	spop @!p0 (v2sf)  }
0x96: {  	s18 =	sand.u32 @!p0 $0x1FFFFF80, s17;
	s17 =	sshrl.u32 @!p0 s17, $0x3  }
0x97: {  	s19 =	simm.s32 @!p0 $0x1580;
	s18 =	sadd.s32 @!p0 s1, s18;
	s17 =	sand.u32 @!p0 $0x1FFFFFF0, s17  }
0x98: {  	[tilespmem:s19], [sflag:$0x2] =	stream.strided.gather @!p0 [hbm4b:s18+s14], $0x800, s15, s14, $0x38;
	[tilespmem:$0x12F00] =	vst v63  }
0x99: {  	s17 =	sadd.s32 @!p0 s3, s17;
	s18 =	simm.s32 @!p0 $0x4E00  }
0x9a: {  	[tilespmem:s18], [sflag:$0x2] =	stream.linear.gather @!p0 [hbm4b:s17+s16], $0x80, $0x38;
	[tilespmem:$0x12F00] =	vst v63  }
0x9b: {  	_ =	swait.ge [sflag:s31], $0x800  }
0x9c: {  	[sflag:s31] =	ssyncset.done $0x0  }
0x9d: {  	[sflag:s31] =	ssyncadd.s32 $0xFFFFF800  }
0x9e: {  	_ =	swait.ge [sflag:s31], $0x80  }
0x9f: {  	[sflag:s31] =	ssyncset.done $0x0  }
0xa0: {  	[sflag:s31] =	ssyncadd.s32 $0xFFFFFF80  }
0xa1: {  	v1 =	vld [tilespmem:s12+$0x2];
	_ =	sdelay $0x4  }
0xa2: {  	(v2sf) =	vpush v1, $0x0;
	_ =	sdelay $0xe  }
0xa3: {  	s18 =	spop (v2sf)  }
0xa4: {  	s17 =	sand.u32 $0x7F, s18  }
0xa5: {  	v1 =	vor.u32 s17, v0;
	_ =	sdelay $0x3  }
0xa6: {  	s19 =	simm.s32 $0x1D80  }
0xa7: {  	v1 =	vld.idx.msk [tilespmem:v1+s19+$0x0], $0xffff  }
0xa8: {  	v2 =	vmov s17;
	_ =	sdelay $0x3  }
0xa9: {  	s19 =	simm.s32 $0x4E80;
	[tilespmem:s9+$0xFFFFFFE0] =	vst v1  }
0xaa: {  	v1 =	vld.idx.msk [tilespmem:v2+s19+$0x0], $0xffff;
	_ =	sdelay $0x4  }
0xab: {  	[tilespmem:s12+$0x12182] =	vst v1  }
0xac: {  	v1 =	vld @!p0 [tilespmem:s13+$0xA];
	_ =	sdelay $0x4  }
0xad: {  	(v2sf) =	vpush @!p0 v1, $0x0;
	_ =	sdelay $0xe  }
0xae: {  	s17 =	spop @!p0 (v2sf)  }
0xaf: {  	s18 =	sand.u32 @!p0 $0x1FFFFF80, s17;
	s17 =	sshrl.u32 @!p0 s17, $0x3  }
0xb0: {  	s19 =	simm.s32 @!p0 $0x1D80;
	s18 =	sadd.s32 @!p0 s1, s18;
	s17 =	sand.u32 @!p0 $0x1FFFFFF0, s17  }
0xb1: {  	[tilespmem:s19], [sflag:$0x3] =	stream.strided.gather @!p0 [hbm4b:s18+s14], $0x800, s15, s14, $0x38;
	[tilespmem:$0x12F00] =	vst v63  }
0xb2: {  	s17 =	sadd.s32 @!p0 s3, s17;
	s18 =	simm.s32 @!p0 $0x4E80  }
0xb3: {  	[tilespmem:s18], [sflag:$0x3] =	stream.linear.gather @!p0 [hbm4b:s17+s16], $0x80, $0x38;
	[tilespmem:$0x12F00] =	vst v63  }
0xb4: {  	_ =	swait.ge [sflag:s2], $0x800  }
0xb5: {  	[sflag:s2] =	ssyncset.done $0x0  }
0xb6: {  	[sflag:s2] =	ssyncadd.s32 $0xFFFFF800  }
0xb7: {  	_ =	swait.ge [sflag:s2], $0x80  }
0xb8: {  	[sflag:s2] =	ssyncset.done $0x0  }
0xb9: {  	[sflag:s2] =	ssyncadd.s32 $0xFFFFFF80  }
0xba: {  	v1 =	vld [tilespmem:s12+$0x3];
	_ =	sdelay $0x4  }
0xbb: {  	(v2sf) =	vpush v1, $0x0;
	_ =	sdelay $0xe  }
0xbc: {  	s18 =	spop (v2sf)  }
0xbd: {  	s17 =	sand.u32 $0x7F, s18  }
0xbe: {  	v1 =	vor.u32 s17, v0;
	_ =	sdelay $0x3  }
0xbf: {  	s19 =	simm.s32 $0x2580  }
0xc0: {  	v1 =	vld.idx.msk [tilespmem:v1+s19+$0x0], $0xffff  }
0xc1: {  	v2 =	vmov s17;
	_ =	sdelay $0x3  }
0xc2: {  	s19 =	simm.s32 $0x4F00;
	[tilespmem:s9+$0xFFFFFFF0] =	vst v1  }
0xc3: {  	v1 =	vld.idx.msk [tilespmem:v2+s19+$0x0], $0xffff;
	_ =	sdelay $0x4  }
0xc4: {  	[tilespmem:s12+$0x12183] =	vst v1  }
0xc5: {  	v1 =	vld @!p0 [tilespmem:s13+$0xB];
	_ =	sdelay $0x4  }
0xc6: {  	(v2sf) =	vpush @!p0 v1, $0x0;
	_ =	sdelay $0xe  }
0xc7: {  	s17 =	spop @!p0 (v2sf)  }
0xc8: {  	s18 =	sand.u32 @!p0 $0x1FFFFF80, s17;
	s17 =	sshrl.u32 @!p0 s17, $0x3  }
0xc9: {  	s19 =	simm.s32 @!p0 $0x2580;
	s18 =	sadd.s32 @!p0 s1, s18;
	s17 =	sand.u32 @!p0 $0x1FFFFFF0, s17  }
0xca: {  	[tilespmem:s19], [sflag:$0x4] =	stream.strided.gather @!p0 [hbm4b:s18+s14], $0x800, s15, s14, $0x38;
	[tilespmem:$0x12F00] =	vst v63  }
0xcb: {  	s17 =	sadd.s32 @!p0 s3, s17;
	s18 =	simm.s32 @!p0 $0x4F00  }
0xcc: {  	[tilespmem:s18], [sflag:$0x4] =	stream.linear.gather @!p0 [hbm4b:s17+s16], $0x80, $0x38;
	[tilespmem:$0x12F00] =	vst v63  }
0xcd: {  	_ =	swait.ge [sflag:s0], $0x800  }
0xce: {  	[sflag:s0] =	ssyncset.done $0x0  }
0xcf: {  	[sflag:s0] =	ssyncadd.s32 $0xFFFFF800  }
0xd0: {  	_ =	swait.ge [sflag:s0], $0x80  }
0xd1: {  	[sflag:s0] =	ssyncset.done $0x0  }
0xd2: {  	[sflag:s0] =	ssyncadd.s32 $0xFFFFFF80  }
0xd3: {  	v1 =	vld [tilespmem:s12+$0x4];
	_ =	sdelay $0x4  }
0xd4: {  	(v2sf) =	vpush v1, $0x0;
	_ =	sdelay $0xe  }
0xd5: {  	s18 =	spop (v2sf)  }
0xd6: {  	s17 =	sand.u32 $0x7F, s18  }
0xd7: {  	v1 =	vor.u32 s17, v0;
	_ =	sdelay $0x4  }
0xd8: {  	v1 =	vld.idx.msk [tilespmem:v1+s20+$0x0], $0xffff  }
0xd9: {  	v2 =	vmov s17;
	_ =	sdelay $0x3  }
0xda: {  	[tilespmem:s9+$0x0] =	vst v1  }
0xdb: {  	v1 =	vld.idx.msk [tilespmem:v2+s21+$0x0], $0xffff;
	_ =	sdelay $0x4  }
0xdc: {  	[tilespmem:s12+$0x12184] =	vst v1  }
0xdd: {  	v1 =	vld @!p0 [tilespmem:s13+$0xC];
	_ =	sdelay $0x4  }
0xde: {  	(v2sf) =	vpush @!p0 v1, $0x0;
	_ =	sdelay $0xe  }
0xdf: {  	s17 =	spop @!p0 (v2sf)  }
0xe0: {  	s18 =	sand.u32 @!p0 $0x1FFFFF80, s17;
	s17 =	sshrl.u32 @!p0 s17, $0x3  }
0xe1: {  	s19 =	simm.s32 @!p0 $0x2D80;
	s18 =	sadd.s32 @!p0 s1, s18;
	s17 =	sand.u32 @!p0 $0x1FFFFFF0, s17  }
0xe2: {  	[tilespmem:s19], [sflag:$0x5] =	stream.strided.gather @!p0 [hbm4b:s18+s14], $0x800, s15, s14, $0x38;
	[tilespmem:$0x12F00] =	vst v63  }
0xe3: {  	s17 =	sadd.s32 @!p0 s3, s17;
	s18 =	simm.s32 @!p0 $0x4F80  }
0xe4: {  	[tilespmem:s18], [sflag:$0x5] =	stream.linear.gather @!p0 [hbm4b:s17+s16], $0x80, $0x38;
	[tilespmem:$0x12F00] =	vst v63  }
0xe5: {  	_ =	swait.ge [sflag:s5], $0x800  }
0xe6: {  	[sflag:s5] =	ssyncset.done $0x0  }
0xe7: {  	[sflag:s5] =	ssyncadd.s32 $0xFFFFF800  }
0xe8: {  	_ =	swait.ge [sflag:s5], $0x80  }
0xe9: {  	[sflag:s5] =	ssyncset.done $0x0  }
0xea: {  	[sflag:s5] =	ssyncadd.s32 $0xFFFFFF80  }
0xeb: {  	v1 =	vld [tilespmem:s12+$0x5];
	_ =	sdelay $0x4  }
0xec: {  	(v2sf) =	vpush v1, $0x0;
	_ =	sdelay $0xe  }
0xed: {  	s19 =	spop (v2sf)  }
0xee: {  	s17 =	sand.u32 $0x7F, s19  }
0xef: {  	v1 =	vor.u32 s17, v0;
	_ =	sdelay $0x4  }
0xf0: {  	v1 =	vld.idx.msk [tilespmem:v1+s22+$0x0], $0xffff  }
0xf1: {  	v2 =	vmov s17;
	_ =	sdelay $0x3  }
0xf2: {  	[tilespmem:s9+$0x10] =	vst v1  }
0xf3: {  	v1 =	vld.idx.msk [tilespmem:v2+s23+$0x0], $0xffff;
	_ =	sdelay $0x4  }
0xf4: {  	[tilespmem:s12+$0x12185] =	vst v1  }
0xf5: {  	v1 =	vld @!p0 [tilespmem:s13+$0xD];
	_ =	sdelay $0x4  }
0xf6: {  	(v2sf) =	vpush @!p0 v1, $0x0;
	_ =	sdelay $0xe  }
0xf7: {  	s17 =	spop @!p0 (v2sf)  }
0xf8: {  	s18 =	sand.u32 @!p0 $0x1FFFFF80, s17;
	s17 =	sshrl.u32 @!p0 s17, $0x3  }
0xf9: {  	s19 =	simm.s32 @!p0 $0x3580;
	s18 =	sadd.s32 @!p0 s1, s18;
	s17 =	sand.u32 @!p0 $0x1FFFFFF0, s17  }
0xfa: {  	[tilespmem:s19], [sflag:$0x6] =	stream.strided.gather @!p0 [hbm4b:s18+s14], $0x800, s15, s14, $0x38;
	[tilespmem:$0x12F00] =	vst v63  }
0xfb: {  	s17 =	sadd.s32 @!p0 s3, s17;
	s18 =	simm.s32 @!p0 $0x5000  }
0xfc: {  	[tilespmem:s18], [sflag:$0x6] =	stream.linear.gather @!p0 [hbm4b:s17+s16], $0x80, $0x38;
	[tilespmem:$0x12F00] =	vst v63  }
0xfd: {  	_ =	swait.ge [sflag:s6], $0x800  }
0xfe: {  	[sflag:s6] =	ssyncset.done $0x0  }
0xff: {  	[sflag:s6] =	ssyncadd.s32 $0xFFFFF800  }
0x100: {  	_ =	swait.ge [sflag:s6], $0x80  }
0x101: {  	[sflag:s6] =	ssyncset.done $0x0  }
0x102: {  	[sflag:s6] =	ssyncadd.s32 $0xFFFFFF80  }
0x103: {  	v1 =	vld [tilespmem:s12+$0x6];
	_ =	sdelay $0x4  }
0x104: {  	(v2sf) =	vpush v1, $0x0;
	_ =	sdelay $0xe  }
0x105: {  	s18 =	spop (v2sf)  }
0x106: {  	s17 =	sand.u32 $0x7F, s18  }
0x107: {  	v1 =	vor.u32 s17, v0;
	_ =	sdelay $0x4  }
0x108: {  	v1 =	vld.idx.msk [tilespmem:v1+s24+$0x0], $0xffff  }
0x109: {  	v2 =	vmov s17;
	_ =	sdelay $0x3  }
0x10a: {  	[tilespmem:s9+$0x20] =	vst v1  }
0x10b: {  	v1 =	vld.idx.msk [tilespmem:v2+s25+$0x0], $0xffff;
	_ =	sdelay $0x4  }
0x10c: {  	[tilespmem:s12+$0x12186] =	vst v1  }
0x10d: {  	v1 =	vld @!p0 [tilespmem:s13+$0xE];
	_ =	sdelay $0x4  }
0x10e: {  	(v2sf) =	vpush @!p0 v1, $0x0;
	_ =	sdelay $0xe  }
0x10f: {  	s13 =	spop @!p0 (v2sf)  }
0x110: {  	s17 =	sand.u32 @!p0 $0x1FFFFF80, s13;
	s13 =	sshrl.u32 @!p0 s13, $0x3  }
0x111: {  	s18 =	simm.s32 @!p0 $0x3D80;
	s17 =	sadd.s32 @!p0 s1, s17;
	s13 =	sand.u32 @!p0 $0x1FFFFFF0, s13  }
0x112: {  	[tilespmem:s18], [sflag:$0x7] =	stream.strided.gather @!p0 [hbm4b:s17+s14], $0x800, s15, s14, $0x38;
	[tilespmem:$0x12F00] =	vst v63  }
0x113: {  	s13 =	sadd.s32 @!p0 s3, s13;
	s14 =	simm.s32 @!p0 $0x5080  }
0x114: {  	[tilespmem:s14], [sflag:$0x7] =	stream.linear.gather @!p0 [hbm4b:s13+s16], $0x80, $0x38;
	[tilespmem:$0x12F00] =	vst v63  }
0x115: {  	_ =	swait.ge [sflag:s7], $0x800  }
0x116: {  	[sflag:s7] =	ssyncset.done $0x0  }
0x117: {  	[sflag:s7] =	ssyncadd.s32 $0xFFFFF800  }
0x118: {  	_ =	swait.ge [sflag:s7], $0x80  }
0x119: {  	[sflag:s7] =	ssyncset.done $0x0  }
0x11a: {  	[sflag:s7] =	ssyncadd.s32 $0xFFFFFF80  }
0x11b: {  	v1 =	vld [tilespmem:s12+$0x7];
	_ =	sdelay $0x4  }
0x11c: {  	(v2sf) =	vpush v1, $0x0;
	_ =	sdelay $0xe  }
0x11d: {  	s19 =	spop (v2sf)  }
0x11e: {  	s13 =	sand.u32 $0x7F, s19  }
0x11f: {  	v1 =	vor.u32 s13, v0;
	_ =	sdelay $0x4  }
0x120: {  	v1 =	vld.idx.msk [tilespmem:v1+s26+$0x0], $0xffff  }
0x121: {  	v2 =	vmov s13;
	_ =	sdelay $0x3  }
0x122: {  	[tilespmem:s9+$0x30] =	vst v1  }
0x123: {  	v1 =	vld.idx.msk [tilespmem:v2+s28+$0x0], $0xffff  }
.Ltmp2:
0x124: {  	_ = 	snop;
	(pc) =	sbr.rel @p0 .LBB2_4-.Ltmp2, $2  }
0x125: {  	_ =	sdelay $0x2  }
0x126: {  	[tilespmem:s12+$0x12187] =	vst v1  }
0x127: {  	v1 =	vld [tilespmem:s12+$0xF];
	_ =	sdelay $0x4  }
0x128: {  	(v2sf) =	vpush v1, $0x0;
	_ =	sdelay $0xe  }
0x129: {  	s19 =	spop (v2sf)  }
.Ltmp3:
0x12a: {  	s13 =	sand.u32 $0x1FFFFF80, s19;
	s12 =	sshrl.u32 s19, $0x3;
	(pc) =	sbr.rel .LBB2_2-.Ltmp3, $4  }
0x12b: {  	s13 =	sadd.s32 s1, s13;
	s12 =	sand.u32 $0x1FFFFFF0, s12  }
0x12c: {  	[tilespmem:s26], [sflag:$0x8] =	stream.strided.gather [hbm4b:s13+s10], $0x800, s11, s10, $0x38;
	[tilespmem:$0x12F00] =	vst v63  }
0x12d: {  	s8 =	sadd.s32 $0x20, s8;
	s9 =	sadd.s32 $0x80, s9;
	s12 =	sadd.s32 s3, s12  }
0x12e: {  	[tilespmem:s28], [sflag:$0x8] =	stream.linear.gather [hbm4b:s12+s4], $0x80, $0x38;
	[tilespmem:$0x12F00] =	vst v63  }
.LBB2_5:
0x12f: {  	_ =	sfence.sel $0x180000  }
0x130: {  	[bflag:$0x0] =	sbarrier.arrive $0xFFFF  }
0x131: {  	_ =	strace $0x90000047  }
0x132: {  	s0 =	stileid.u32;
	[bflag:$0x2] =	sbarrier.arrive $0xFFFF  }
0x133: {  	p0 =	sne.s32 s0, $0x0;
	s0 =	rddreg [dreg:$0x3]  }
0x134: {  	s0 =	sadd.s32 @!p0 $0x100000, s0  }
0x135: {  	[sflag:s0] =	ssyncadd.tile.s32 @!p0 $0x1;
	_ =	shalt  }
.Lfunc_end2:
_tile_overlayer_lowered:
.L_overlay_start_2:
0x136: {  	(tag) =	ssettag $0x2  }
0x137: {  	s0 =	rddreg [dreg:$0x0];
	s2 =	stileid.u32  }
0x138: {  	s1 =	rddreg [dreg:$0x1];
	p0 =	sne.s32 s2, $0x0  }
0x139: {  	s3 =	rddreg [dreg:$0x2];
	[bflag:$0x3] =	sbarrier.arrive $0xFFFF;
	s2 =	simm.s32 @!p0 $0x1C09  }
0x13a: {  	[timem:s3], [sflag:s2] =	dma.local @!p0 [hbm:s0], s1  }
0x13b: {  	s0 =	simm.s32 @!p0 $0x9  }
0x13c: {  	_ =	swait.ge @!p0 [sflag:s0], s1  }
0x13d: {  	s1 =	ssub.s32 @!p0 $0x0, s1;
	[sflag:s0] =	ssyncset.done @!p0 $0x0  }
0x13e: {  	[sflag:s0] =	ssyncadd.s32 @!p0 s1  }
0x13f: {  	[bflag:$0x3] =	sbarrier.arrive $0xFFFF  }
0x140: {  	_ =	shalt  }

</sc_bundles>
